<compile_context>
chip_gen: v7x
topology: tpu7x:2x2x1
jax: 0.10.2.dev20260603
libtpu: 0.0.44.dev20260713+nightly
codegen_flags: <defaults>
</compile_context>

<pallas_src>
import functools

import jax
import jax.numpy as jnp
from jax import lax
from jax.experimental import pallas as pl
from jax.experimental.pallas import tpu as pltpu
from jax.experimental.pallas import tpu_sc as plsc

B_Q = 1024
D = 128
N_KEYS = 100000
BLK = 2048
N_BLK = 49
M_PAD = N_BLK * BLK
CHUNK = 128
N_CHUNK = M_PAD // CHUNK
N_CHUNK_PAD = 896
TOPK = 10
NEG = -3.0e38
BIG_I = 2**30

SC_CORES = 2
SC_SUBCORES = 16
NW = SC_CORES * SC_SUBCORES
N_IDX = B_Q * TOPK
IDX_PER_W = N_IDX // NW
def _simblock_kernel(q_ref, k_ref, sim_ref, cmax_ref, qn_ref):
    j = pl.program_id(0)

    @pl.when(j == 0)
    def _():
        q = q_ref[...]
        n = jnp.sqrt(jnp.sum(q * q, axis=1, keepdims=True))
        qn_ref[...] = q / jnp.maximum(n, 1e-12)

    k = k_ref[...]
    kn = k / jnp.maximum(jnp.sqrt(jnp.sum(k * k, axis=1, keepdims=True)), 1e-12)
    qn = qn_ref[...]
    parts = []
    s_chunks = []
    for c in range(BLK // CHUNK):
        s_c = lax.dot_general(qn, kn[c * CHUNK:(c + 1) * CHUNK, :],
                              (((1,), (1,)), ((), ())),
                              preferred_element_type=jnp.float32)
        s_chunks.append(s_c)
        sim_ref[0, c] = s_c
        parts.append(jnp.max(s_c, axis=1, keepdims=True))
    cmax_ref[0] = jnp.transpose(jnp.concatenate(parts, axis=1), (1, 0))

    @pl.when(j == N_BLK - 1)
    def _():
        lane = lax.broadcasted_iota(jnp.int32, (B_Q, CHUNK), 1)
        mparts = list(parts)
        c_lo = (N_KEYS - (N_BLK - 1) * BLK) // CHUNK
        for c in range(c_lo, BLK // CHUNK):
            col = (N_BLK - 1) * BLK + c * CHUNK + lane
            s_m = jnp.where(col < N_KEYS, s_chunks[c], NEG)
            sim_ref[0, c] = s_m
            mparts[c] = jnp.max(s_m, axis=1, keepdims=True)
        cmax_ref[0] = jnp.transpose(jnp.concatenate(mparts, axis=1), (1, 0))


def _topchunk_kernel(cmax_ref, cidx_ref):
    v = jnp.concatenate([cmax_ref[c] for c in range(N_BLK)], axis=0)
    rowc = lax.broadcasted_iota(jnp.int32, (N_CHUNK, B_Q), 0)
    orow = lax.broadcasted_iota(jnp.int32, (24, B_Q), 0)
    out = jnp.zeros((24, B_Q), jnp.int32)
    for t in range(TOPK):
        m = jnp.max(v, axis=0, keepdims=True)
        sel = jnp.where(v == m, rowc, BIG_I)
        idx = jnp.min(sel, axis=0, keepdims=True)
        out = jnp.where(orow == t, idx, out)
        v = jnp.where(rowc == idx, NEG, v)
    cidx_ref[...] = out


def _final_topk_kernel(cand_ref, cidx_ref, vout_ref, iout_ref):
    cand = cand_ref[...]
    lane = lax.broadcasted_iota(jnp.int32, (B_Q, CHUNK), 1)
    keyidx = jnp.concatenate(
        [cidx_ref[:, t:t + 1] * CHUNK + lane for t in range(TOPK)], axis=1)
    ocol = lax.broadcasted_iota(jnp.int32, (B_Q, CHUNK), 1)
    vout = jnp.zeros((B_Q, CHUNK), jnp.float32)
    iout = jnp.zeros((B_Q, CHUNK), jnp.int32)
    for t in range(TOPK):
        m = jnp.max(cand, axis=1, keepdims=True)
        sel = jnp.where(cand == m, keyidx, BIG_I)
        ki = jnp.min(sel, axis=1, keepdims=True)
        vout = jnp.where(ocol == t, m, vout)
        iout = jnp.where(ocol == t, ki, iout)
        cand = jnp.where((cand == m) & (keyidx == ki), NEG, cand)
    vout_ref[...] = vout
    iout_ref[...] = iout


def _sc_gather(table, idx2d):
    d = table.shape[1]
    mesh = plsc.VectorSubcoreMesh(core_axis_name="c", subcore_axis_name="s")

    @functools.partial(
        pl.kernel, mesh=mesh,
        out_type=jax.ShapeDtypeStruct((N_IDX, d), jnp.float32),
        scratch_types=[
            pltpu.VMEM((IDX_PER_W,), jnp.int32),
            pltpu.VMEM((IDX_PER_W, d), jnp.float32),
            pltpu.SemaphoreType.DMA,
        ],
    )
    def gather(table_hbm, idx_hbm, out_hbm, idx_v, rows_v, sem):
        wid = lax.axis_index("s") * SC_CORES + lax.axis_index("c")
        pltpu.sync_copy(idx_hbm.at[wid], idx_v)
        copies = [
            pltpu.async_copy(
                table_hbm.at[idx_v.at[pl.ds(off, min(CHUNK, IDX_PER_W - off))]],
                rows_v.at[pl.ds(off, min(CHUNK, IDX_PER_W - off))], sem)
            for off in range(0, IDX_PER_W, CHUNK)
        ]
        for cp in copies:
            cp.wait()
        pltpu.sync_copy(rows_v, out_hbm.at[pl.ds(wid * IDX_PER_W, IDX_PER_W)])

    return gather(table, idx2d)


def kernel(query_embeddings, key_embeddings):
    q = query_embeddings.reshape(B_Q, D)
    k = key_embeddings.reshape(N_KEYS, D)

    sim, cmax = pl.pallas_call(
        _simblock_kernel,
        grid=(N_BLK,),
        in_specs=[
            pl.BlockSpec((B_Q, D), lambda j: (0, 0)),
            pl.BlockSpec((BLK, D), lambda j: (j, 0)),
        ],
        out_specs=[
            pl.BlockSpec((1, BLK // CHUNK, B_Q, CHUNK), lambda j: (j, 0, 0, 0)),
            pl.BlockSpec((1, BLK // CHUNK, B_Q), lambda j: (j, 0, 0)),
        ],
        out_shape=[
            jax.ShapeDtypeStruct((N_BLK, BLK // CHUNK, B_Q, CHUNK), jnp.float32),
            jax.ShapeDtypeStruct((N_BLK, BLK // CHUNK, B_Q), jnp.float32),
        ],
        scratch_shapes=[pltpu.VMEM((B_Q, D), jnp.float32)],
    )(q, k)

    cidx_t = pl.pallas_call(
        _topchunk_kernel,
        out_shape=jax.ShapeDtypeStruct((24, B_Q), jnp.int32),
    )(cmax)

    chunk_idx = cidx_t[:TOPK].transpose(1, 0)
    cidx_pad = jnp.pad(chunk_idx, ((0, 0), (0, 6)))
    row = jnp.arange(B_Q, dtype=jnp.int32)[:, None]
    flat_cand = (chunk_idx * B_Q + row).reshape(-1)

    sim_rows = sim.reshape(B_Q * N_CHUNK, CHUNK)
    cand = _sc_gather(sim_rows, flat_cand.reshape(NW, IDX_PER_W))

    vout, iout = pl.pallas_call(
        _final_topk_kernel,
        out_shape=[
            jax.ShapeDtypeStruct((B_Q, CHUNK), jnp.float32),
            jax.ShapeDtypeStruct((B_Q, CHUNK), jnp.int32),
        ],
    )(cand.reshape(B_Q, TOPK * CHUNK), cidx_pad)

    top_sim = vout[:, :TOPK]
    top_idx = iout[:, :TOPK]

    retrieved = _sc_gather(k, top_idx.reshape(NW, IDX_PER_W))
    return top_sim, top_idx, retrieved.reshape(B_Q, TOPK, 1, D)

# --- scband reference (transcript-rebuilt; emitter-appended) ---
"""Pipeline reference for scband-embedding-retriever-20727512170512 (READ-ONLY COPY).

The authoritative reference and input builder live on the scoring server;
editing this copy changes nothing except your own understanding.
"""

import jax, jax.numpy as jnp
import numpy as np

N_TOP = 10  # init kwarg n


def _cos_sim(v1, v2):
    # v1: [B, V, D], v2: [M, V, D] -> [B, M, V]  (mirrors my_cos_sim with F.normalize eps=1e-12)
    v1n = v1 / jnp.clip(jnp.linalg.norm(v1, axis=2, keepdims=True), 1e-12, None)
    v2n = v2 / jnp.clip(jnp.linalg.norm(v2, axis=2, keepdims=True), 1e-12, None)
    return jnp.einsum('bvd,mvd->bmv', v1n, v2n)


def setup_inputs(seed: int = 0) -> dict:
    key = jax.random.key(seed)
    k1, k2 = jax.random.split(key)
    query_embeddings = jax.random.normal(k1, (1024, 1, 128), dtype=jnp.float32)
    key_embeddings = jax.random.normal(k2, (100000, 1, 128), dtype=jnp.float32)
    return {"query_embeddings": query_embeddings, "key_embeddings": key_embeddings}


def reference(query_embeddings, key_embeddings):
    # cosine similarity per vector, summed over vectors -> [B, M]
    cos = _cos_sim(query_embeddings, key_embeddings)
    sim = jnp.sum(cos, axis=2)
    # retrieve top-n most similar database entries
    top_sim, top_idx = jax.lax.top_k(sim, N_TOP)
    retrieved = key_embeddings[top_idx]  # [B, n, V, D] gather of retrieved example embeddings
    return top_sim, top_idx, retrieved

if __name__ == "__main__":
    import jax
    _d = setup_inputs()
    print(jax.jit(kernel)(*tuple(_d.values())))

</pallas_src>

<mosaic_0001>
#map = affine_map<(d0, d1) -> (0, 0)>
module attributes {stable_mosaic.version = 14 : i64} {
  func.func @gather(%arg0: i32, %arg1: i32, %arg2: memref<802816x128xf32, #tpu.memory_space<hbm>>, %arg3: memref<32x320xi32, #tpu.memory_space<hbm>>, %arg4: memref<10240x128xf32, #tpu.memory_space<hbm>>, %arg5: memref<320xi32, #tpu.memory_space<vmem>>, %arg6: memref<320x128xf32, #tpu.memory_space<vmem>>, %arg7: memref<!tpu.dma_semaphore, #tpu.memory_space<semaphore_mem>>) attributes {dimension_semantics = [#tpu.dimension_semantics<core_parallel>, #tpu.dimension_semantics<subcore_parallel>], iteration_bounds = array<i64: 2, 16>, scalar_prefetch = 0 : i64, scratch_operands = 3 : i64, tpu.core_type = #tpu.core_type<sc_vector_subcore>, window_params = [{transform_indices = #map}, {transform_indices = #map}, {transform_indices = #map}]} {
    %mul3A = arith.constant 2 : i32
    %mul3A_0 = arith.muli %arg1, %mul3A : i32
    %add3A = arith.addi %mul3A_0, %arg0 : i32
    "tpu.region"() ({
      %run_scoped3A = tpu.sem_alloc : memref<!tpu.dma_semaphore, #tpu.memory_space<semaphore_mem>>
      %dma_start3A_49 = arith.constant 0 : i32
      %dma_start3A_50 = tpu.memref_slice %arg3[%add3A, %dma_start3A_49] : memref<32x320xi32, #tpu.memory_space<hbm>> -> memref<1x320xi32, #tpu.memory_space<hbm>>
      %dma_start3A_51 = tpu.memref_squeeze %dma_start3A_50 : memref<1x320xi32, #tpu.memory_space<hbm>> -> memref<320xi32, #tpu.memory_space<hbm>>
      %dma_start3A_52 = arith.constant 0 : i32
      %dma_start3A_53 = tpu.memref_slice %arg3[%add3A, %dma_start3A_52] : memref<32x320xi32, #tpu.memory_space<hbm>> -> memref<1x320xi32, #tpu.memory_space<hbm>>
      %dma_start3A_54 = tpu.memref_squeeze %dma_start3A_53 : memref<1x320xi32, #tpu.memory_space<hbm>> -> memref<320xi32, #tpu.memory_space<hbm>>
      tpu.enqueue_dma source(%dma_start3A_54 : memref<320xi32, #tpu.memory_space<hbm>>) target(%arg5 : memref<320xi32, #tpu.memory_space<vmem>>) target_semaphore(%run_scoped3A : memref<!tpu.dma_semaphore, #tpu.memory_space<semaphore_mem>>)
      %dma_wait3A_55 = arith.constant 0 : i32
      %dma_wait3A_56 = tpu.memref_slice %arg3[%add3A, %dma_wait3A_55] : memref<32x320xi32, #tpu.memory_space<hbm>> -> memref<1x320xi32, #tpu.memory_space<hbm>>
      %dma_wait3A_57 = tpu.memref_squeeze %dma_wait3A_56 : memref<1x320xi32, #tpu.memory_space<hbm>> -> memref<320xi32, #tpu.memory_space<hbm>>
      %dma_wait3A_58 = arith.constant 0 : i32
      %dma_wait3A_59 = tpu.memref_slice %arg3[%add3A, %dma_wait3A_58] : memref<32x320xi32, #tpu.memory_space<hbm>> -> memref<1x320xi32, #tpu.memory_space<hbm>>
      %dma_wait3A_60 = tpu.memref_squeeze %dma_wait3A_59 : memref<1x320xi32, #tpu.memory_space<hbm>> -> memref<320xi32, #tpu.memory_space<hbm>>
      tpu.wait_dma2 semaphore(%run_scoped3A : memref<!tpu.dma_semaphore, #tpu.memory_space<semaphore_mem>>) src(%dma_wait3A_60 : memref<320xi32, #tpu.memory_space<hbm>>) dst(%arg5 : memref<320xi32, #tpu.memory_space<vmem>>)
      tpu.yield
    }) : () -> ()
    %dma_start3A = arith.constant 0 : i32
    %dma_start3A_1 = arith.constant 0 : i32
    %dma_start3A_2 = tpu.memref_slice %arg6[%dma_start3A, %dma_start3A_1] : memref<320x128xf32, #tpu.memory_space<vmem>> -> memref<128x128xf32, #tpu.memory_space<vmem>>
    %dma_start3A_3 = arith.constant 0 : i32
    %dma_start3A_4 = tpu.memref_slice %arg5[%dma_start3A_3] : memref<320xi32, #tpu.memory_space<vmem>> -> memref<128xi32, #tpu.memory_space<vmem>>
    %dma_start3A_5 = arith.constant 0 : i32
    %dma_start3A_6 = arith.constant 0 : i32
    %dma_start3A_7 = tpu.memref_slice %arg2[%dma_start3A_5, %dma_start3A_6] : memref<802816x128xf32, #tpu.memory_space<hbm>> -> memref<802816x128xf32, #tpu.memory_space<hbm>>
    tpu.enqueue_indirect_dma source(%dma_start3A_7 : memref<802816x128xf32, #tpu.memory_space<hbm>>) target(%dma_start3A_2 : memref<128x128xf32, #tpu.memory_space<vmem>>) offsets(%dma_start3A_4 : memref<128xi32, #tpu.memory_space<vmem>>) semaphore(%arg7 : memref<!tpu.dma_semaphore, #tpu.memory_space<semaphore_mem>>)
    %dma_start3A_8 = arith.constant 128 : i32
    %dma_start3A_9 = arith.constant 0 : i32
    %dma_start3A_10 = tpu.memref_slice %arg6[%dma_start3A_8, %dma_start3A_9] : memref<320x128xf32, #tpu.memory_space<vmem>> -> memref<128x128xf32, #tpu.memory_space<vmem>>
    %dma_start3A_11 = arith.constant 128 : i32
    %dma_start3A_12 = tpu.memref_slice %arg5[%dma_start3A_11] : memref<320xi32, #tpu.memory_space<vmem>> -> memref<128xi32, #tpu.memory_space<vmem>>
    %dma_start3A_13 = arith.constant 0 : i32
    %dma_start3A_14 = arith.constant 0 : i32
    %dma_start3A_15 = tpu.memref_slice %arg2[%dma_start3A_13, %dma_start3A_14] : memref<802816x128xf32, #tpu.memory_space<hbm>> -> memref<802816x128xf32, #tpu.memory_space<hbm>>
    tpu.enqueue_indirect_dma source(%dma_start3A_15 : memref<802816x128xf32, #tpu.memory_space<hbm>>) target(%dma_start3A_10 : memref<128x128xf32, #tpu.memory_space<vmem>>) offsets(%dma_start3A_12 : memref<128xi32, #tpu.memory_space<vmem>>) semaphore(%arg7 : memref<!tpu.dma_semaphore, #tpu.memory_space<semaphore_mem>>)
    %dma_start3A_16 = arith.constant 256 : i32
    %dma_start3A_17 = arith.constant 0 : i32
    %dma_start3A_18 = tpu.memref_slice %arg6[%dma_start3A_16, %dma_start3A_17] : memref<320x128xf32, #tpu.memory_space<vmem>> -> memref<64x128xf32, #tpu.memory_space<vmem>>
    %dma_start3A_19 = arith.constant 256 : i32
    %dma_start3A_20 = tpu.memref_slice %arg5[%dma_start3A_19] : memref<320xi32, #tpu.memory_space<vmem>> -> memref<64xi32, #tpu.memory_space<vmem>>
    %dma_start3A_21 = arith.constant 0 : i32
    %dma_start3A_22 = arith.constant 0 : i32
    %dma_start3A_23 = tpu.memref_slice %arg2[%dma_start3A_21, %dma_start3A_22] : memref<802816x128xf32, #tpu.memory_space<hbm>> -> memref<802816x128xf32, #tpu.memory_space<hbm>>
    tpu.enqueue_indirect_dma source(%dma_start3A_23 : memref<802816x128xf32, #tpu.memory_space<hbm>>) target(%dma_start3A_18 : memref<64x128xf32, #tpu.memory_space<vmem>>) offsets(%dma_start3A_20 : memref<64xi32, #tpu.memory_space<vmem>>) semaphore(%arg7 : memref<!tpu.dma_semaphore, #tpu.memory_space<semaphore_mem>>)
    %dma_wait3A = arith.constant 0 : i32
    %dma_wait3A_24 = arith.constant 0 : i32
    %dma_wait3A_25 = tpu.memref_slice %arg6[%dma_wait3A, %dma_wait3A_24] : memref<320x128xf32, #tpu.memory_space<vmem>> -> memref<128x128xf32, #tpu.memory_space<vmem>>
    %dma_wait3A_26 = arith.constant 0 : i32
    %dma_wait3A_27 = tpu.memref_slice %arg5[%dma_wait3A_26] : memref<320xi32, #tpu.memory_space<vmem>> -> memref<128xi32, #tpu.memory_space<vmem>>
    %dma_wait3A_28 = arith.constant 0 : i32
    %dma_wait3A_29 = arith.constant 0 : i32
    %dma_wait3A_30 = tpu.memref_slice %arg2[%dma_wait3A_28, %dma_wait3A_29] : memref<802816x128xf32, #tpu.memory_space<hbm>> -> memref<802816x128xf32, #tpu.memory_space<hbm>>
    tpu.wait_indirect_dma semaphore(%arg7 : memref<!tpu.dma_semaphore, #tpu.memory_space<semaphore_mem>>) src(%dma_wait3A_30 : memref<802816x128xf32, #tpu.memory_space<hbm>>) dst(%dma_wait3A_25 : memref<128x128xf32, #tpu.memory_space<vmem>>)
    %dma_wait3A_31 = arith.constant 128 : i32
    %dma_wait3A_32 = arith.constant 0 : i32
    %dma_wait3A_33 = tpu.memref_slice %arg6[%dma_wait3A_31, %dma_wait3A_32] : memref<320x128xf32, #tpu.memory_space<vmem>> -> memref<128x128xf32, #tpu.memory_space<vmem>>
    %dma_wait3A_34 = arith.constant 128 : i32
    %dma_wait3A_35 = tpu.memref_slice %arg5[%dma_wait3A_34] : memref<320xi32, #tpu.memory_space<vmem>> -> memref<128xi32, #tpu.memory_space<vmem>>
    %dma_wait3A_36 = arith.constant 0 : i32
    %dma_wait3A_37 = arith.constant 0 : i32
    %dma_wait3A_38 = tpu.memref_slice %arg2[%dma_wait3A_36, %dma_wait3A_37] : memref<802816x128xf32, #tpu.memory_space<hbm>> -> memref<802816x128xf32, #tpu.memory_space<hbm>>
    tpu.wait_indirect_dma semaphore(%arg7 : memref<!tpu.dma_semaphore, #tpu.memory_space<semaphore_mem>>) src(%dma_wait3A_38 : memref<802816x128xf32, #tpu.memory_space<hbm>>) dst(%dma_wait3A_33 : memref<128x128xf32, #tpu.memory_space<vmem>>)
    %dma_wait3A_39 = arith.constant 256 : i32
    %dma_wait3A_40 = arith.constant 0 : i32
    %dma_wait3A_41 = tpu.memref_slice %arg6[%dma_wait3A_39, %dma_wait3A_40] : memref<320x128xf32, #tpu.memory_space<vmem>> -> memref<64x128xf32, #tpu.memory_space<vmem>>
    %dma_wait3A_42 = arith.constant 256 : i32
    %dma_wait3A_43 = tpu.memref_slice %arg5[%dma_wait3A_42] : memref<320xi32, #tpu.memory_space<vmem>> -> memref<64xi32, #tpu.memory_space<vmem>>
    %dma_wait3A_44 = arith.constant 0 : i32
    %dma_wait3A_45 = arith.constant 0 : i32
    %dma_wait3A_46 = tpu.memref_slice %arg2[%dma_wait3A_44, %dma_wait3A_45] : memref<802816x128xf32, #tpu.memory_space<hbm>> -> memref<802816x128xf32, #tpu.memory_space<hbm>>
    tpu.wait_indirect_dma semaphore(%arg7 : memref<!tpu.dma_semaphore, #tpu.memory_space<semaphore_mem>>) src(%dma_wait3A_46 : memref<802816x128xf32, #tpu.memory_space<hbm>>) dst(%dma_wait3A_41 : memref<64x128xf32, #tpu.memory_space<vmem>>)
    %mul3A_47 = arith.constant 320 : i32
    %mul3A_48 = arith.muli %add3A, %mul3A_47 : i32
    "tpu.region"() ({
      %run_scoped3A = tpu.sem_alloc : memref<!tpu.dma_semaphore, #tpu.memory_space<semaphore_mem>>
      %dma_start3A_49 = arith.constant 0 : i32
      %dma_start3A_50 = tpu.memref_slice %arg4[%mul3A_48, %dma_start3A_49] : memref<10240x128xf32, #tpu.memory_space<hbm>> -> memref<320x128xf32, #tpu.memory_space<hbm>>
      %dma_start3A_51 = arith.constant 0 : i32
      %dma_start3A_52 = tpu.memref_slice %arg4[%mul3A_48, %dma_start3A_51] : memref<10240x128xf32, #tpu.memory_space<hbm>> -> memref<320x128xf32, #tpu.memory_space<hbm>>
      tpu.enqueue_dma source(%arg6 : memref<320x128xf32, #tpu.memory_space<vmem>>) target(%dma_start3A_52 : memref<320x128xf32, #tpu.memory_space<hbm>>) target_semaphore(%run_scoped3A : memref<!tpu.dma_semaphore, #tpu.memory_space<semaphore_mem>>)
      %dma_wait3A_53 = arith.constant 0 : i32
      %dma_wait3A_54 = tpu.memref_slice %arg4[%mul3A_48, %dma_wait3A_53] : memref<10240x128xf32, #tpu.memory_space<hbm>> -> memref<320x128xf32, #tpu.memory_space<hbm>>
      %dma_wait3A_55 = arith.constant 0 : i32
      %dma_wait3A_56 = tpu.memref_slice %arg4[%mul3A_48, %dma_wait3A_55] : memref<10240x128xf32, #tpu.memory_space<hbm>> -> memref<320x128xf32, #tpu.memory_space<hbm>>
      tpu.wait_dma2 semaphore(%run_scoped3A : memref<!tpu.dma_semaphore, #tpu.memory_space<semaphore_mem>>) src(%arg6 : memref<320x128xf32, #tpu.memory_space<vmem>>) dst(%dma_wait3A_56 : memref<320x128xf32, #tpu.memory_space<hbm>>)
      tpu.yield
    }) : () -> ()
    return
  }
}

#map = affine_map<(d0, d1) -> (0, 0)>
module attributes {stable_mosaic.version = 14 : i64} {
  func.func @gather(%arg0: i32, %arg1: i32, %arg2: memref<100000x128xf32, #tpu.memory_space<hbm>>, %arg3: memref<32x320xi32, #tpu.memory_space<hbm>>, %arg4: memref<10240x128xf32, #tpu.memory_space<hbm>>, %arg5: memref<320xi32, #tpu.memory_space<vmem>>, %arg6: memref<320x128xf32, #tpu.memory_space<vmem>>, %arg7: memref<!tpu.dma_semaphore, #tpu.memory_space<semaphore_mem>>) attributes {dimension_semantics = [#tpu.dimension_semantics<core_parallel>, #tpu.dimension_semantics<subcore_parallel>], iteration_bounds = array<i64: 2, 16>, scalar_prefetch = 0 : i64, scratch_operands = 3 : i64, tpu.core_type = #tpu.core_type<sc_vector_subcore>, window_params = [{transform_indices = #map}, {transform_indices = #map}, {transform_indices = #map}]} {
    %mul3A = arith.constant 2 : i32
    %mul3A_0 = arith.muli %arg1, %mul3A : i32
    %add3A = arith.addi %mul3A_0, %arg0 : i32
    "tpu.region"() ({
      %run_scoped3A = tpu.sem_alloc : memref<!tpu.dma_semaphore, #tpu.memory_space<semaphore_mem>>
      %dma_start3A_49 = arith.constant 0 : i32
      %dma_start3A_50 = tpu.memref_slice %arg3[%add3A, %dma_start3A_49] : memref<32x320xi32, #tpu.memory_space<hbm>> -> memref<1x320xi32, #tpu.memory_space<hbm>>
      %dma_start3A_51 = tpu.memref_squeeze %dma_start3A_50 : memref<1x320xi32, #tpu.memory_space<hbm>> -> memref<320xi32, #tpu.memory_space<hbm>>
      %dma_start3A_52 = arith.constant 0 : i32
      %dma_start3A_53 = tpu.memref_slice %arg3[%add3A, %dma_start3A_52] : memref<32x320xi32, #tpu.memory_space<hbm>> -> memref<1x320xi32, #tpu.memory_space<hbm>>
      %dma_start3A_54 = tpu.memref_squeeze %dma_start3A_53 : memref<1x320xi32, #tpu.memory_space<hbm>> -> memref<320xi32, #tpu.memory_space<hbm>>
      tpu.enqueue_dma source(%dma_start3A_54 : memref<320xi32, #tpu.memory_space<hbm>>) target(%arg5 : memref<320xi32, #tpu.memory_space<vmem>>) target_semaphore(%run_scoped3A : memref<!tpu.dma_semaphore, #tpu.memory_space<semaphore_mem>>)
      %dma_wait3A_55 = arith.constant 0 : i32
      %dma_wait3A_56 = tpu.memref_slice %arg3[%add3A, %dma_wait3A_55] : memref<32x320xi32, #tpu.memory_space<hbm>> -> memref<1x320xi32, #tpu.memory_space<hbm>>
      %dma_wait3A_57 = tpu.memref_squeeze %dma_wait3A_56 : memref<1x320xi32, #tpu.memory_space<hbm>> -> memref<320xi32, #tpu.memory_space<hbm>>
      %dma_wait3A_58 = arith.constant 0 : i32
      %dma_wait3A_59 = tpu.memref_slice %arg3[%add3A, %dma_wait3A_58] : memref<32x320xi32, #tpu.memory_space<hbm>> -> memref<1x320xi32, #tpu.memory_space<hbm>>
      %dma_wait3A_60 = tpu.memref_squeeze %dma_wait3A_59 : memref<1x320xi32, #tpu.memory_space<hbm>> -> memref<320xi32, #tpu.memory_space<hbm>>
      tpu.wait_dma2 semaphore(%run_scoped3A : memref<!tpu.dma_semaphore, #tpu.memory_space<semaphore_mem>>) src(%dma_wait3A_60 : memref<320xi32, #tpu.memory_space<hbm>>) dst(%arg5 : memref<320xi32, #tpu.memory_space<vmem>>)
      tpu.yield
    }) : () -> ()
    %dma_start3A = arith.constant 0 : i32
    %dma_start3A_1 = arith.constant 0 : i32
    %dma_start3A_2 = tpu.memref_slice %arg6[%dma_start3A, %dma_start3A_1] : memref<320x128xf32, #tpu.memory_space<vmem>> -> memref<128x128xf32, #tpu.memory_space<vmem>>
    %dma_start3A_3 = arith.constant 0 : i32
    %dma_start3A_4 = tpu.memref_slice %arg5[%dma_start3A_3] : memref<320xi32, #tpu.memory_space<vmem>> -> memref<128xi32, #tpu.memory_space<vmem>>
    %dma_start3A_5 = arith.constant 0 : i32
    %dma_start3A_6 = arith.constant 0 : i32
    %dma_start3A_7 = tpu.memref_slice %arg2[%dma_start3A_5, %dma_start3A_6] : memref<100000x128xf32, #tpu.memory_space<hbm>> -> memref<100000x128xf32, #tpu.memory_space<hbm>>
    tpu.enqueue_indirect_dma source(%dma_start3A_7 : memref<100000x128xf32, #tpu.memory_space<hbm>>) target(%dma_start3A_2 : memref<128x128xf32, #tpu.memory_space<vmem>>) offsets(%dma_start3A_4 : memref<128xi32, #tpu.memory_space<vmem>>) semaphore(%arg7 : memref<!tpu.dma_semaphore, #tpu.memory_space<semaphore_mem>>)
    %dma_start3A_8 = arith.constant 128 : i32
    %dma_start3A_9 = arith.constant 0 : i32
    %dma_start3A_10 = tpu.memref_slice %arg6[%dma_start3A_8, %dma_start3A_9] : memref<320x128xf32, #tpu.memory_space<vmem>> -> memref<128x128xf32, #tpu.memory_space<vmem>>
    %dma_start3A_11 = arith.constant 128 : i32
    %dma_start3A_12 = tpu.memref_slice %arg5[%dma_start3A_11] : memref<320xi32, #tpu.memory_space<vmem>> -> memref<128xi32, #tpu.memory_space<vmem>>
    %dma_start3A_13 = arith.constant 0 : i32
    %dma_start3A_14 = arith.constant 0 : i32
    %dma_start3A_15 = tpu.memref_slice %arg2[%dma_start3A_13, %dma_start3A_14] : memref<100000x128xf32, #tpu.memory_space<hbm>> -> memref<100000x128xf32, #tpu.memory_space<hbm>>
    tpu.enqueue_indirect_dma source(%dma_start3A_15 : memref<100000x128xf32, #tpu.memory_space<hbm>>) target(%dma_start3A_10 : memref<128x128xf32, #tpu.memory_space<vmem>>) offsets(%dma_start3A_12 : memref<128xi32, #tpu.memory_space<vmem>>) semaphore(%arg7 : memref<!tpu.dma_semaphore, #tpu.memory_space<semaphore_mem>>)
    %dma_start3A_16 = arith.constant 256 : i32
    %dma_start3A_17 = arith.constant 0 : i32
    %dma_start3A_18 = tpu.memref_slice %arg6[%dma_start3A_16, %dma_start3A_17] : memref<320x128xf32, #tpu.memory_space<vmem>> -> memref<64x128xf32, #tpu.memory_space<vmem>>
    %dma_start3A_19 = arith.constant 256 : i32
    %dma_start3A_20 = tpu.memref_slice %arg5[%dma_start3A_19] : memref<320xi32, #tpu.memory_space<vmem>> -> memref<64xi32, #tpu.memory_space<vmem>>
    %dma_start3A_21 = arith.constant 0 : i32
    %dma_start3A_22 = arith.constant 0 : i32
    %dma_start3A_23 = tpu.memref_slice %arg2[%dma_start3A_21, %dma_start3A_22] : memref<100000x128xf32, #tpu.memory_space<hbm>> -> memref<100000x128xf32, #tpu.memory_space<hbm>>
    tpu.enqueue_indirect_dma source(%dma_start3A_23 : memref<100000x128xf32, #tpu.memory_space<hbm>>) target(%dma_start3A_18 : memref<64x128xf32, #tpu.memory_space<vmem>>) offsets(%dma_start3A_20 : memref<64xi32, #tpu.memory_space<vmem>>) semaphore(%arg7 : memref<!tpu.dma_semaphore, #tpu.memory_space<semaphore_mem>>)
    %dma_wait3A = arith.constant 0 : i32
    %dma_wait3A_24 = arith.constant 0 : i32
    %dma_wait3A_25 = tpu.memref_slice %arg6[%dma_wait3A, %dma_wait3A_24] : memref<320x128xf32, #tpu.memory_space<vmem>> -> memref<128x128xf32, #tpu.memory_space<vmem>>
    %dma_wait3A_26 = arith.constant 0 : i32
    %dma_wait3A_27 = tpu.memref_slice %arg5[%dma_wait3A_26] : memref<320xi32, #tpu.memory_space<vmem>> -> memref<128xi32, #tpu.memory_space<vmem>>
    %dma_wait3A_28 = arith.constant 0 : i32
    %dma_wait3A_29 = arith.constant 0 : i32
    %dma_wait3A_30 = tpu.memref_slice %arg2[%dma_wait3A_28, %dma_wait3A_29] : memref<100000x128xf32, #tpu.memory_space<hbm>> -> memref<100000x128xf32, #tpu.memory_space<hbm>>
    tpu.wait_indirect_dma semaphore(%arg7 : memref<!tpu.dma_semaphore, #tpu.memory_space<semaphore_mem>>) src(%dma_wait3A_30 : memref<100000x128xf32, #tpu.memory_space<hbm>>) dst(%dma_wait3A_25 : memref<128x128xf32, #tpu.memory_space<vmem>>)
    %dma_wait3A_31 = arith.constant 128 : i32
    %dma_wait3A_32 = arith.constant 0 : i32
    %dma_wait3A_33 = tpu.memref_slice %arg6[%dma_wait3A_31, %dma_wait3A_32] : memref<320x128xf32, #tpu.memory_space<vmem>> -> memref<128x128xf32, #tpu.memory_space<vmem>>
    %dma_wait3A_34 = arith.constant 128 : i32
    %dma_wait3A_35 = tpu.memref_slice %arg5[%dma_wait3A_34] : memref<320xi32, #tpu.memory_space<vmem>> -> memref<128xi32, #tpu.memory_space<vmem>>
    %dma_wait3A_36 = arith.constant 0 : i32
    %dma_wait3A_37 = arith.constant 0 : i32
    %dma_wait3A_38 = tpu.memref_slice %arg2[%dma_wait3A_36, %dma_wait3A_37] : memref<100000x128xf32, #tpu.memory_space<hbm>> -> memref<100000x128xf32, #tpu.memory_space<hbm>>
    tpu.wait_indirect_dma semaphore(%arg7 : memref<!tpu.dma_semaphore, #tpu.memory_space<semaphore_mem>>) src(%dma_wait3A_38 : memref<100000x128xf32, #tpu.memory_space<hbm>>) dst(%dma_wait3A_33 : memref<128x128xf32, #tpu.memory_space<vmem>>)
    %dma_wait3A_39 = arith.constant 256 : i32
    %dma_wait3A_40 = arith.constant 0 : i32
    %dma_wait3A_41 = tpu.memref_slice %arg6[%dma_wait3A_39, %dma_wait3A_40] : memref<320x128xf32, #tpu.memory_space<vmem>> -> memref<64x128xf32, #tpu.memory_space<vmem>>
    %dma_wait3A_42 = arith.constant 256 : i32
    %dma_wait3A_43 = tpu.memref_slice %arg5[%dma_wait3A_42] : memref<320xi32, #tpu.memory_space<vmem>> -> memref<64xi32, #tpu.memory_space<vmem>>
    %dma_wait3A_44 = arith.constant 0 : i32
    %dma_wait3A_45 = arith.constant 0 : i32
    %dma_wait3A_46 = tpu.memref_slice %arg2[%dma_wait3A_44, %dma_wait3A_45] : memref<100000x128xf32, #tpu.memory_space<hbm>> -> memref<100000x128xf32, #tpu.memory_space<hbm>>
    tpu.wait_indirect_dma semaphore(%arg7 : memref<!tpu.dma_semaphore, #tpu.memory_space<semaphore_mem>>) src(%dma_wait3A_46 : memref<100000x128xf32, #tpu.memory_space<hbm>>) dst(%dma_wait3A_41 : memref<64x128xf32, #tpu.memory_space<vmem>>)
    %mul3A_47 = arith.constant 320 : i32
    %mul3A_48 = arith.muli %add3A, %mul3A_47 : i32
    "tpu.region"() ({
      %run_scoped3A = tpu.sem_alloc : memref<!tpu.dma_semaphore, #tpu.memory_space<semaphore_mem>>
      %dma_start3A_49 = arith.constant 0 : i32
      %dma_start3A_50 = tpu.memref_slice %arg4[%mul3A_48, %dma_start3A_49] : memref<10240x128xf32, #tpu.memory_space<hbm>> -> memref<320x128xf32, #tpu.memory_space<hbm>>
      %dma_start3A_51 = arith.constant 0 : i32
      %dma_start3A_52 = tpu.memref_slice %arg4[%mul3A_48, %dma_start3A_51] : memref<10240x128xf32, #tpu.memory_space<hbm>> -> memref<320x128xf32, #tpu.memory_space<hbm>>
      tpu.enqueue_dma source(%arg6 : memref<320x128xf32, #tpu.memory_space<vmem>>) target(%dma_start3A_52 : memref<320x128xf32, #tpu.memory_space<hbm>>) target_semaphore(%run_scoped3A : memref<!tpu.dma_semaphore, #tpu.memory_space<semaphore_mem>>)
      %dma_wait3A_53 = arith.constant 0 : i32
      %dma_wait3A_54 = tpu.memref_slice %arg4[%mul3A_48, %dma_wait3A_53] : memref<10240x128xf32, #tpu.memory_space<hbm>> -> memref<320x128xf32, #tpu.memory_space<hbm>>
      %dma_wait3A_55 = arith.constant 0 : i32
      %dma_wait3A_56 = tpu.memref_slice %arg4[%mul3A_48, %dma_wait3A_55] : memref<10240x128xf32, #tpu.memory_space<hbm>> -> memref<320x128xf32, #tpu.memory_space<hbm>>
      tpu.wait_dma2 semaphore(%run_scoped3A : memref<!tpu.dma_semaphore, #tpu.memory_space<semaphore_mem>>) src(%arg6 : memref<320x128xf32, #tpu.memory_space<vmem>>) dst(%dma_wait3A_56 : memref<320x128xf32, #tpu.memory_space<hbm>>)
      tpu.yield
    }) : () -> ()
    return
  }
}

module attributes {stable_mosaic.version = 14 : i64} {
  func.func @_simblock_kernel(%arg0: i32, %arg1: memref<1024x128xf32, #tpu.memory_space<vmem>>, %arg2: memref<2048x128xf32, #tpu.memory_space<vmem>>, %arg3: memref<1x16x1024x128xf32, #tpu.memory_space<vmem>>, %arg4: memref<1x16x1024xf32, #tpu.memory_space<vmem>>, %arg5: memref<1024x128xf32, #tpu.memory_space<vmem>>) attributes {dimension_semantics = [#tpu.dimension_semantics<arbitrary>], iteration_bounds = array<i64: 49>, scalar_prefetch = 0 : i64, scratch_operands = 1 : i64, tpu.core_type = #tpu.core_type<tc>, window_params = [{pipeline_mode = #tpu.pipeline_mode<synchronous>, transform_indices = @transform_0, window_bounds = array<i64: 1024, 128>}, {transform_indices = @transform_1, window_bounds = array<i64: 2048, 128>}, {transform_indices = @transform_2, window_bounds = array<i64: 1, 16, 1024, 128>}, {transform_indices = @transform_3, window_bounds = array<i64: 1, 16, 1024>}]} {
    %eq3A = arith.constant 0 : i32
    %eq3A_0 = arith.cmpi eq, %arg0, %eq3A : i32
    %convert_element_type3A = arith.extui %eq3A_0 : i1 to i32
    %cond3A = arith.constant 0 : i32
    %cond3A_1 = arith.cmpi ne, %convert_element_type3A, %cond3A : i32
    scf.if %cond3A_1 {
      %get3A_226 = arith.constant 0 : index
      %get3A_227 = arith.constant 0 : index
      %get3A_228 = vector.load %arg1[%get3A_226, %get3A_227] : memref<1024x128xf32, #tpu.memory_space<vmem>>, vector<1024x128xf32>
      %mul3A_229 = arith.mulf %get3A_228, %get3A_228 : vector<1024x128xf32>
      %reduce_sum3A_230 = arith.constant dense<0.000000e+00> : vector<1024xf32>
      %reduce_sum3A_231 = vector.multi_reduction <add>, %mul3A_229, %reduce_sum3A_230 [1] : vector<1024x128xf32> to vector<1024xf32>
      %broadcast_in_dim3A_232 = vector.shape_cast %reduce_sum3A_231 : vector<1024xf32> to vector<1024x1xf32>
      %sqrt3A_233 = math.sqrt %broadcast_in_dim3A_232 : vector<1024x1xf32>
      %max3A_234 = arith.constant 9.99999996E-13 : f32
      %max3A_235 = vector.broadcast %max3A_234 : f32 to vector<1024x1xf32>
      %max3A_236 = arith.maximumf %sqrt3A_233, %max3A_235 : vector<1024x1xf32>
      %div3A_237 = vector.broadcast %max3A_236 : vector<1024x1xf32> to vector<1024x128xf32>
      %div3A_238 = arith.divf %get3A_228, %div3A_237 : vector<1024x128xf32>
      %swap3A_239 = arith.constant 0 : index
      %swap3A_240 = arith.constant 0 : index
      %swap3A_241 = vector.load %arg5[%swap3A_239, %swap3A_240] : memref<1024x128xf32, #tpu.memory_space<vmem>>, vector<1024x128xf32>
      tpu.vector_store %arg5[%swap3A_239, %swap3A_240], %div3A_238 {strides = array<i32>} : memref<1024x128xf32, #tpu.memory_space<vmem>>, vector<1024x128xf32>,
    } else {
    }
    %get3A = arith.constant 0 : index
    %get3A_2 = arith.constant 0 : index
    %get3A_3 = vector.load %arg2[%get3A, %get3A_2] : memref<2048x128xf32, #tpu.memory_space<vmem>>, vector<2048x128xf32>
    %mul3A = arith.mulf %get3A_3, %get3A_3 : vector<2048x128xf32>
    %reduce_sum3A = arith.constant dense<0.000000e+00> : vector<2048xf32>
    %reduce_sum3A_4 = vector.multi_reduction <add>, %mul3A, %reduce_sum3A [1] : vector<2048x128xf32> to vector<2048xf32>
    %broadcast_in_dim3A = vector.shape_cast %reduce_sum3A_4 : vector<2048xf32> to vector<2048x1xf32>
    %sqrt3A = math.sqrt %broadcast_in_dim3A : vector<2048x1xf32>
    %max3A = arith.constant 9.99999996E-13 : f32
    %max3A_5 = vector.broadcast %max3A : f32 to vector<2048x1xf32>
    %max3A_6 = arith.maximumf %sqrt3A, %max3A_5 : vector<2048x1xf32>
    %div3A = vector.broadcast %max3A_6 : vector<2048x1xf32> to vector<2048x128xf32>
    %div3A_7 = arith.divf %get3A_3, %div3A : vector<2048x128xf32>
    %get3A_8 = arith.constant 0 : index
    %get3A_9 = arith.constant 0 : index
    %get3A_10 = vector.load %arg5[%get3A_8, %get3A_9] : memref<1024x128xf32, #tpu.memory_space<vmem>>, vector<1024x128xf32>
    %slice3A = vector.extract_strided_slice %div3A_7 {offsets = [0, 0], sizes = [128, 128], strides = [1, 1]} : vector<2048x128xf32> to vector<128x128xf32>
    %dot_general3A = arith.constant dense<0.000000e+00> : vector<1024x128xf32>
    %dot_general3A_11 = tpu.matmul %get3A_10, %slice3A, %dot_general3A {dimension_numbers = #tpu.dot_dimension_numbers<[1], [1], [0], [0], [0, 0, 1, 0], [], []>, transpose_lhs_hint = false} : vector<1024x128xf32>, vector<128x128xf32>, vector<1024x128xf32> -> vector<1024x128xf32>
    %swap3A = arith.constant 0 : index
    %swap3A_12 = arith.constant 0 : index
    %swap3A_13 = arith.constant 0 : index
    %swap3A_14 = arith.constant 0 : index
    %swap3A_15 = vector.load %arg3[%swap3A, %swap3A_12, %swap3A_13, %swap3A_14] : memref<1x16x1024x128xf32, #tpu.memory_space<vmem>>, vector<1x1x1024x128xf32>
    %swap3A_16 = vector.shape_cast %swap3A_15 : vector<1x1x1024x128xf32> to vector<1024x128xf32>
    %swap3A_17 = vector.shape_cast %dot_general3A_11 : vector<1024x128xf32> to vector<1x1x1024x128xf32>
    tpu.vector_store %arg3[%swap3A, %swap3A_12, %swap3A_13, %swap3A_14], %swap3A_17 {strides = array<i32>} : memref<1x16x1024x128xf32, #tpu.memory_space<vmem>>, vector<1x1x1024x128xf32>,
    %reduce_max3A = arith.constant dense<0xFF800000> : vector<1024xf32>
    %reduce_max3A_18 = vector.multi_reduction <maximumf>, %dot_general3A_11, %reduce_max3A [1] : vector<1024x128xf32> to vector<1024xf32>
    %broadcast_in_dim3A_19 = vector.shape_cast %reduce_max3A_18 : vector<1024xf32> to vector<1024x1xf32>
    %slice3A_20 = vector.extract_strided_slice %div3A_7 {offsets = [128, 0], sizes = [128, 128], strides = [1, 1]} : vector<2048x128xf32> to vector<128x128xf32>
    %dot_general3A_21 = arith.constant dense<0.000000e+00> : vector<1024x128xf32>
    %dot_general3A_22 = tpu.matmul %get3A_10, %slice3A_20, %dot_general3A_21 {dimension_numbers = #tpu.dot_dimension_numbers<[1], [1], [0], [0], [0, 0, 1, 0], [], []>, transpose_lhs_hint = false} : vector<1024x128xf32>, vector<128x128xf32>, vector<1024x128xf32> -> vector<1024x128xf32>
    %swap3A_23 = arith.constant 0 : index
    %swap3A_24 = arith.constant 1 : index
    %swap3A_25 = arith.constant 0 : index
    %swap3A_26 = arith.constant 0 : index
    %swap3A_27 = vector.load %arg3[%swap3A_23, %swap3A_24, %swap3A_25, %swap3A_26] : memref<1x16x1024x128xf32, #tpu.memory_space<vmem>>, vector<1x1x1024x128xf32>
    %swap3A_28 = vector.shape_cast %swap3A_27 : vector<1x1x1024x128xf32> to vector<1024x128xf32>
    %swap3A_29 = vector.shape_cast %dot_general3A_22 : vector<1024x128xf32> to vector<1x1x1024x128xf32>
    tpu.vector_store %arg3[%swap3A_23, %swap3A_24, %swap3A_25, %swap3A_26], %swap3A_29 {strides = array<i32>} : memref<1x16x1024x128xf32, #tpu.memory_space<vmem>>, vector<1x1x1024x128xf32>,
    %reduce_max3A_30 = arith.constant dense<0xFF800000> : vector<1024xf32>
    %reduce_max3A_31 = vector.multi_reduction <maximumf>, %dot_general3A_22, %reduce_max3A_30 [1] : vector<1024x128xf32> to vector<1024xf32>
    %broadcast_in_dim3A_32 = vector.shape_cast %reduce_max3A_31 : vector<1024xf32> to vector<1024x1xf32>
    %slice3A_33 = vector.extract_strided_slice %div3A_7 {offsets = [256, 0], sizes = [128, 128], strides = [1, 1]} : vector<2048x128xf32> to vector<128x128xf32>
    %dot_general3A_34 = arith.constant dense<0.000000e+00> : vector<1024x128xf32>
    %dot_general3A_35 = tpu.matmul %get3A_10, %slice3A_33, %dot_general3A_34 {dimension_numbers = #tpu.dot_dimension_numbers<[1], [1], [0], [0], [0, 0, 1, 0], [], []>, transpose_lhs_hint = false} : vector<1024x128xf32>, vector<128x128xf32>, vector<1024x128xf32> -> vector<1024x128xf32>
    %swap3A_36 = arith.constant 0 : index
    %swap3A_37 = arith.constant 2 : index
    %swap3A_38 = arith.constant 0 : index
    %swap3A_39 = arith.constant 0 : index
    %swap3A_40 = vector.load %arg3[%swap3A_36, %swap3A_37, %swap3A_38, %swap3A_39] : memref<1x16x1024x128xf32, #tpu.memory_space<vmem>>, vector<1x1x1024x128xf32>
    %swap3A_41 = vector.shape_cast %swap3A_40 : vector<1x1x1024x128xf32> to vector<1024x128xf32>
    %swap3A_42 = vector.shape_cast %dot_general3A_35 : vector<1024x128xf32> to vector<1x1x1024x128xf32>
    tpu.vector_store %arg3[%swap3A_36, %swap3A_37, %swap3A_38, %swap3A_39], %swap3A_42 {strides = array<i32>} : memref<1x16x1024x128xf32, #tpu.memory_space<vmem>>, vector<1x1x1024x128xf32>,
    %reduce_max3A_43 = arith.constant dense<0xFF800000> : vector<1024xf32>
    %reduce_max3A_44 = vector.multi_reduction <maximumf>, %dot_general3A_35, %reduce_max3A_43 [1] : vector<1024x128xf32> to vector<1024xf32>
    %broadcast_in_dim3A_45 = vector.shape_cast %reduce_max3A_44 : vector<1024xf32> to vector<1024x1xf32>
    %slice3A_46 = vector.extract_strided_slice %div3A_7 {offsets = [384, 0], sizes = [128, 128], strides = [1, 1]} : vector<2048x128xf32> to vector<128x128xf32>
    %dot_general3A_47 = arith.constant dense<0.000000e+00> : vector<1024x128xf32>
    %dot_general3A_48 = tpu.matmul %get3A_10, %slice3A_46, %dot_general3A_47 {dimension_numbers = #tpu.dot_dimension_numbers<[1], [1], [0], [0], [0, 0, 1, 0], [], []>, transpose_lhs_hint = false} : vector<1024x128xf32>, vector<128x128xf32>, vector<1024x128xf32> -> vector<1024x128xf32>
    %swap3A_49 = arith.constant 0 : index
    %swap3A_50 = arith.constant 3 : index
    %swap3A_51 = arith.constant 0 : index
    %swap3A_52 = arith.constant 0 : index
    %swap3A_53 = vector.load %arg3[%swap3A_49, %swap3A_50, %swap3A_51, %swap3A_52] : memref<1x16x1024x128xf32, #tpu.memory_space<vmem>>, vector<1x1x1024x128xf32>
    %swap3A_54 = vector.shape_cast %swap3A_53 : vector<1x1x1024x128xf32> to vector<1024x128xf32>
    %swap3A_55 = vector.shape_cast %dot_general3A_48 : vector<1024x128xf32> to vector<1x1x1024x128xf32>
    tpu.vector_store %arg3[%swap3A_49, %swap3A_50, %swap3A_51, %swap3A_52], %swap3A_55 {strides = array<i32>} : memref<1x16x1024x128xf32, #tpu.memory_space<vmem>>, vector<1x1x1024x128xf32>,
    %reduce_max3A_56 = arith.constant dense<0xFF800000> : vector<1024xf32>
    %reduce_max3A_57 = vector.multi_reduction <maximumf>, %dot_general3A_48, %reduce_max3A_56 [1] : vector<1024x128xf32> to vector<1024xf32>
    %broadcast_in_dim3A_58 = vector.shape_cast %reduce_max3A_57 : vector<1024xf32> to vector<1024x1xf32>
    %slice3A_59 = vector.extract_strided_slice %div3A_7 {offsets = [512, 0], sizes = [128, 128], strides = [1, 1]} : vector<2048x128xf32> to vector<128x128xf32>
    %dot_general3A_60 = arith.constant dense<0.000000e+00> : vector<1024x128xf32>
    %dot_general3A_61 = tpu.matmul %get3A_10, %slice3A_59, %dot_general3A_60 {dimension_numbers = #tpu.dot_dimension_numbers<[1], [1], [0], [0], [0, 0, 1, 0], [], []>, transpose_lhs_hint = false} : vector<1024x128xf32>, vector<128x128xf32>, vector<1024x128xf32> -> vector<1024x128xf32>
    %swap3A_62 = arith.constant 0 : index
    %swap3A_63 = arith.constant 4 : index
    %swap3A_64 = arith.constant 0 : index
    %swap3A_65 = arith.constant 0 : index
    %swap3A_66 = vector.load %arg3[%swap3A_62, %swap3A_63, %swap3A_64, %swap3A_65] : memref<1x16x1024x128xf32, #tpu.memory_space<vmem>>, vector<1x1x1024x128xf32>
    %swap3A_67 = vector.shape_cast %swap3A_66 : vector<1x1x1024x128xf32> to vector<1024x128xf32>
    %swap3A_68 = vector.shape_cast %dot_general3A_61 : vector<1024x128xf32> to vector<1x1x1024x128xf32>
    tpu.vector_store %arg3[%swap3A_62, %swap3A_63, %swap3A_64, %swap3A_65], %swap3A_68 {strides = array<i32>} : memref<1x16x1024x128xf32, #tpu.memory_space<vmem>>, vector<1x1x1024x128xf32>,
    %reduce_max3A_69 = arith.constant dense<0xFF800000> : vector<1024xf32>
    %reduce_max3A_70 = vector.multi_reduction <maximumf>, %dot_general3A_61, %reduce_max3A_69 [1] : vector<1024x128xf32> to vector<1024xf32>
    %broadcast_in_dim3A_71 = vector.shape_cast %reduce_max3A_70 : vector<1024xf32> to vector<1024x1xf32>
    %slice3A_72 = vector.extract_strided_slice %div3A_7 {offsets = [640, 0], sizes = [128, 128], strides = [1, 1]} : vector<2048x128xf32> to vector<128x128xf32>
    %dot_general3A_73 = arith.constant dense<0.000000e+00> : vector<1024x128xf32>
    %dot_general3A_74 = tpu.matmul %get3A_10, %slice3A_72, %dot_general3A_73 {dimension_numbers = #tpu.dot_dimension_numbers<[1], [1], [0], [0], [0, 0, 1, 0], [], []>, transpose_lhs_hint = false} : vector<1024x128xf32>, vector<128x128xf32>, vector<1024x128xf32> -> vector<1024x128xf32>
    %swap3A_75 = arith.constant 0 : index
    %swap3A_76 = arith.constant 5 : index
    %swap3A_77 = arith.constant 0 : index
    %swap3A_78 = arith.constant 0 : index
    %swap3A_79 = vector.load %arg3[%swap3A_75, %swap3A_76, %swap3A_77, %swap3A_78] : memref<1x16x1024x128xf32, #tpu.memory_space<vmem>>, vector<1x1x1024x128xf32>
    %swap3A_80 = vector.shape_cast %swap3A_79 : vector<1x1x1024x128xf32> to vector<1024x128xf32>
    %swap3A_81 = vector.shape_cast %dot_general3A_74 : vector<1024x128xf32> to vector<1x1x1024x128xf32>
    tpu.vector_store %arg3[%swap3A_75, %swap3A_76, %swap3A_77, %swap3A_78], %swap3A_81 {strides = array<i32>} : memref<1x16x1024x128xf32, #tpu.memory_space<vmem>>, vector<1x1x1024x128xf32>,
    %reduce_max3A_82 = arith.constant dense<0xFF800000> : vector<1024xf32>
    %reduce_max3A_83 = vector.multi_reduction <maximumf>, %dot_general3A_74, %reduce_max3A_82 [1] : vector<1024x128xf32> to vector<1024xf32>
    %broadcast_in_dim3A_84 = vector.shape_cast %reduce_max3A_83 : vector<1024xf32> to vector<1024x1xf32>
    %slice3A_85 = vector.extract_strided_slice %div3A_7 {offsets = [768, 0], sizes = [128, 128], strides = [1, 1]} : vector<2048x128xf32> to vector<128x128xf32>
    %dot_general3A_86 = arith.constant dense<0.000000e+00> : vector<1024x128xf32>
    %dot_general3A_87 = tpu.matmul %get3A_10, %slice3A_85, %dot_general3A_86 {dimension_numbers = #tpu.dot_dimension_numbers<[1], [1], [0], [0], [0, 0, 1, 0], [], []>, transpose_lhs_hint = false} : vector<1024x128xf32>, vector<128x128xf32>, vector<1024x128xf32> -> vector<1024x128xf32>
    %swap3A_88 = arith.constant 0 : index
    %swap3A_89 = arith.constant 6 : index
    %swap3A_90 = arith.constant 0 : index
    %swap3A_91 = arith.constant 0 : index
    %swap3A_92 = vector.load %arg3[%swap3A_88, %swap3A_89, %swap3A_90, %swap3A_91] : memref<1x16x1024x128xf32, #tpu.memory_space<vmem>>, vector<1x1x1024x128xf32>
    %swap3A_93 = vector.shape_cast %swap3A_92 : vector<1x1x1024x128xf32> to vector<1024x128xf32>
    %swap3A_94 = vector.shape_cast %dot_general3A_87 : vector<1024x128xf32> to vector<1x1x1024x128xf32>
    tpu.vector_store %arg3[%swap3A_88, %swap3A_89, %swap3A_90, %swap3A_91], %swap3A_94 {strides = array<i32>} : memref<1x16x1024x128xf32, #tpu.memory_space<vmem>>, vector<1x1x1024x128xf32>,
    %reduce_max3A_95 = arith.constant dense<0xFF800000> : vector<1024xf32>
    %reduce_max3A_96 = vector.multi_reduction <maximumf>, %dot_general3A_87, %reduce_max3A_95 [1] : vector<1024x128xf32> to vector<1024xf32>
    %broadcast_in_dim3A_97 = vector.shape_cast %reduce_max3A_96 : vector<1024xf32> to vector<1024x1xf32>
    %slice3A_98 = vector.extract_strided_slice %div3A_7 {offsets = [896, 0], sizes = [128, 128], strides = [1, 1]} : vector<2048x128xf32> to vector<128x128xf32>
    %dot_general3A_99 = arith.constant dense<0.000000e+00> : vector<1024x128xf32>
    %dot_general3A_100 = tpu.matmul %get3A_10, %slice3A_98, %dot_general3A_99 {dimension_numbers = #tpu.dot_dimension_numbers<[1], [1], [0], [0], [0, 0, 1, 0], [], []>, transpose_lhs_hint = false} : vector<1024x128xf32>, vector<128x128xf32>, vector<1024x128xf32> -> vector<1024x128xf32>
    %swap3A_101 = arith.constant 0 : index
    %swap3A_102 = arith.constant 7 : index
    %swap3A_103 = arith.constant 0 : index
    %swap3A_104 = arith.constant 0 : index
    %swap3A_105 = vector.load %arg3[%swap3A_101, %swap3A_102, %swap3A_103, %swap3A_104] : memref<1x16x1024x128xf32, #tpu.memory_space<vmem>>, vector<1x1x1024x128xf32>
    %swap3A_106 = vector.shape_cast %swap3A_105 : vector<1x1x1024x128xf32> to vector<1024x128xf32>
    %swap3A_107 = vector.shape_cast %dot_general3A_100 : vector<1024x128xf32> to vector<1x1x1024x128xf32>
    tpu.vector_store %arg3[%swap3A_101, %swap3A_102, %swap3A_103, %swap3A_104], %swap3A_107 {strides = array<i32>} : memref<1x16x1024x128xf32, #tpu.memory_space<vmem>>, vector<1x1x1024x128xf32>,
    %reduce_max3A_108 = arith.constant dense<0xFF800000> : vector<1024xf32>
    %reduce_max3A_109 = vector.multi_reduction <maximumf>, %dot_general3A_100, %reduce_max3A_108 [1] : vector<1024x128xf32> to vector<1024xf32>
    %broadcast_in_dim3A_110 = vector.shape_cast %reduce_max3A_109 : vector<1024xf32> to vector<1024x1xf32>
    %slice3A_111 = vector.extract_strided_slice %div3A_7 {offsets = [1024, 0], sizes = [128, 128], strides = [1, 1]} : vector<2048x128xf32> to vector<128x128xf32>
    %dot_general3A_112 = arith.constant dense<0.000000e+00> : vector<1024x128xf32>
    %dot_general3A_113 = tpu.matmul %get3A_10, %slice3A_111, %dot_general3A_112 {dimension_numbers = #tpu.dot_dimension_numbers<[1], [1], [0], [0], [0, 0, 1, 0], [], []>, transpose_lhs_hint = false} : vector<1024x128xf32>, vector<128x128xf32>, vector<1024x128xf32> -> vector<1024x128xf32>
    %swap3A_114 = arith.constant 0 : index
    %swap3A_115 = arith.constant 8 : index
    %swap3A_116 = arith.constant 0 : index
    %swap3A_117 = arith.constant 0 : index
    %swap3A_118 = vector.load %arg3[%swap3A_114, %swap3A_115, %swap3A_116, %swap3A_117] : memref<1x16x1024x128xf32, #tpu.memory_space<vmem>>, vector<1x1x1024x128xf32>
    %swap3A_119 = vector.shape_cast %swap3A_118 : vector<1x1x1024x128xf32> to vector<1024x128xf32>
    %swap3A_120 = vector.shape_cast %dot_general3A_113 : vector<1024x128xf32> to vector<1x1x1024x128xf32>
    tpu.vector_store %arg3[%swap3A_114, %swap3A_115, %swap3A_116, %swap3A_117], %swap3A_120 {strides = array<i32>} : memref<1x16x1024x128xf32, #tpu.memory_space<vmem>>, vector<1x1x1024x128xf32>,
    %reduce_max3A_121 = arith.constant dense<0xFF800000> : vector<1024xf32>
    %reduce_max3A_122 = vector.multi_reduction <maximumf>, %dot_general3A_113, %reduce_max3A_121 [1] : vector<1024x128xf32> to vector<1024xf32>
    %broadcast_in_dim3A_123 = vector.shape_cast %reduce_max3A_122 : vector<1024xf32> to vector<1024x1xf32>
    %slice3A_124 = vector.extract_strided_slice %div3A_7 {offsets = [1152, 0], sizes = [128, 128], strides = [1, 1]} : vector<2048x128xf32> to vector<128x128xf32>
    %dot_general3A_125 = arith.constant dense<0.000000e+00> : vector<1024x128xf32>
    %dot_general3A_126 = tpu.matmul %get3A_10, %slice3A_124, %dot_general3A_125 {dimension_numbers = #tpu.dot_dimension_numbers<[1], [1], [0], [0], [0, 0, 1, 0], [], []>, transpose_lhs_hint = false} : vector<1024x128xf32>, vector<128x128xf32>, vector<1024x128xf32> -> vector<1024x128xf32>
    %swap3A_127 = arith.constant 0 : index
    %swap3A_128 = arith.constant 9 : index
    %swap3A_129 = arith.constant 0 : index
    %swap3A_130 = arith.constant 0 : index
    %swap3A_131 = vector.load %arg3[%swap3A_127, %swap3A_128, %swap3A_129, %swap3A_130] : memref<1x16x1024x128xf32, #tpu.memory_space<vmem>>, vector<1x1x1024x128xf32>
    %swap3A_132 = vector.shape_cast %swap3A_131 : vector<1x1x1024x128xf32> to vector<1024x128xf32>
    %swap3A_133 = vector.shape_cast %dot_general3A_126 : vector<1024x128xf32> to vector<1x1x1024x128xf32>
    tpu.vector_store %arg3[%swap3A_127, %swap3A_128, %swap3A_129, %swap3A_130], %swap3A_133 {strides = array<i32>} : memref<1x16x1024x128xf32, #tpu.memory_space<vmem>>, vector<1x1x1024x128xf32>,
    %reduce_max3A_134 = arith.constant dense<0xFF800000> : vector<1024xf32>
    %reduce_max3A_135 = vector.multi_reduction <maximumf>, %dot_general3A_126, %reduce_max3A_134 [1] : vector<1024x128xf32> to vector<1024xf32>
    %broadcast_in_dim3A_136 = vector.shape_cast %reduce_max3A_135 : vector<1024xf32> to vector<1024x1xf32>
    %slice3A_137 = vector.extract_strided_slice %div3A_7 {offsets = [1280, 0], sizes = [128, 128], strides = [1, 1]} : vector<2048x128xf32> to vector<128x128xf32>
    %dot_general3A_138 = arith.constant dense<0.000000e+00> : vector<1024x128xf32>
    %dot_general3A_139 = tpu.matmul %get3A_10, %slice3A_137, %dot_general3A_138 {dimension_numbers = #tpu.dot_dimension_numbers<[1], [1], [0], [0], [0, 0, 1, 0], [], []>, transpose_lhs_hint = false} : vector<1024x128xf32>, vector<128x128xf32>, vector<1024x128xf32> -> vector<1024x128xf32>
    %swap3A_140 = arith.constant 0 : index
    %swap3A_141 = arith.constant 10 : index
    %swap3A_142 = arith.constant 0 : index
    %swap3A_143 = arith.constant 0 : index
    %swap3A_144 = vector.load %arg3[%swap3A_140, %swap3A_141, %swap3A_142, %swap3A_143] : memref<1x16x1024x128xf32, #tpu.memory_space<vmem>>, vector<1x1x1024x128xf32>
    %swap3A_145 = vector.shape_cast %swap3A_144 : vector<1x1x1024x128xf32> to vector<1024x128xf32>
    %swap3A_146 = vector.shape_cast %dot_general3A_139 : vector<1024x128xf32> to vector<1x1x1024x128xf32>
    tpu.vector_store %arg3[%swap3A_140, %swap3A_141, %swap3A_142, %swap3A_143], %swap3A_146 {strides = array<i32>} : memref<1x16x1024x128xf32, #tpu.memory_space<vmem>>, vector<1x1x1024x128xf32>,
    %reduce_max3A_147 = arith.constant dense<0xFF800000> : vector<1024xf32>
    %reduce_max3A_148 = vector.multi_reduction <maximumf>, %dot_general3A_139, %reduce_max3A_147 [1] : vector<1024x128xf32> to vector<1024xf32>
    %broadcast_in_dim3A_149 = vector.shape_cast %reduce_max3A_148 : vector<1024xf32> to vector<1024x1xf32>
    %slice3A_150 = vector.extract_strided_slice %div3A_7 {offsets = [1408, 0], sizes = [128, 128], strides = [1, 1]} : vector<2048x128xf32> to vector<128x128xf32>
    %dot_general3A_151 = arith.constant dense<0.000000e+00> : vector<1024x128xf32>
    %dot_general3A_152 = tpu.matmul %get3A_10, %slice3A_150, %dot_general3A_151 {dimension_numbers = #tpu.dot_dimension_numbers<[1], [1], [0], [0], [0, 0, 1, 0], [], []>, transpose_lhs_hint = false} : vector<1024x128xf32>, vector<128x128xf32>, vector<1024x128xf32> -> vector<1024x128xf32>
    %swap3A_153 = arith.constant 0 : index
    %swap3A_154 = arith.constant 11 : index
    %swap3A_155 = arith.constant 0 : index
    %swap3A_156 = arith.constant 0 : index
    %swap3A_157 = vector.load %arg3[%swap3A_153, %swap3A_154, %swap3A_155, %swap3A_156] : memref<1x16x1024x128xf32, #tpu.memory_space<vmem>>, vector<1x1x1024x128xf32>
    %swap3A_158 = vector.shape_cast %swap3A_157 : vector<1x1x1024x128xf32> to vector<1024x128xf32>
    %swap3A_159 = vector.shape_cast %dot_general3A_152 : vector<1024x128xf32> to vector<1x1x1024x128xf32>
    tpu.vector_store %arg3[%swap3A_153, %swap3A_154, %swap3A_155, %swap3A_156], %swap3A_159 {strides = array<i32>} : memref<1x16x1024x128xf32, #tpu.memory_space<vmem>>, vector<1x1x1024x128xf32>,
    %reduce_max3A_160 = arith.constant dense<0xFF800000> : vector<1024xf32>
    %reduce_max3A_161 = vector.multi_reduction <maximumf>, %dot_general3A_152, %reduce_max3A_160 [1] : vector<1024x128xf32> to vector<1024xf32>
    %broadcast_in_dim3A_162 = vector.shape_cast %reduce_max3A_161 : vector<1024xf32> to vector<1024x1xf32>
    %slice3A_163 = vector.extract_strided_slice %div3A_7 {offsets = [1536, 0], sizes = [128, 128], strides = [1, 1]} : vector<2048x128xf32> to vector<128x128xf32>
    %dot_general3A_164 = arith.constant dense<0.000000e+00> : vector<1024x128xf32>
    %dot_general3A_165 = tpu.matmul %get3A_10, %slice3A_163, %dot_general3A_164 {dimension_numbers = #tpu.dot_dimension_numbers<[1], [1], [0], [0], [0, 0, 1, 0], [], []>, transpose_lhs_hint = false} : vector<1024x128xf32>, vector<128x128xf32>, vector<1024x128xf32> -> vector<1024x128xf32>
    %swap3A_166 = arith.constant 0 : index
    %swap3A_167 = arith.constant 12 : index
    %swap3A_168 = arith.constant 0 : index
    %swap3A_169 = arith.constant 0 : index
    %swap3A_170 = vector.load %arg3[%swap3A_166, %swap3A_167, %swap3A_168, %swap3A_169] : memref<1x16x1024x128xf32, #tpu.memory_space<vmem>>, vector<1x1x1024x128xf32>
    %swap3A_171 = vector.shape_cast %swap3A_170 : vector<1x1x1024x128xf32> to vector<1024x128xf32>
    %swap3A_172 = vector.shape_cast %dot_general3A_165 : vector<1024x128xf32> to vector<1x1x1024x128xf32>
    tpu.vector_store %arg3[%swap3A_166, %swap3A_167, %swap3A_168, %swap3A_169], %swap3A_172 {strides = array<i32>} : memref<1x16x1024x128xf32, #tpu.memory_space<vmem>>, vector<1x1x1024x128xf32>,
    %reduce_max3A_173 = arith.constant dense<0xFF800000> : vector<1024xf32>
    %reduce_max3A_174 = vector.multi_reduction <maximumf>, %dot_general3A_165, %reduce_max3A_173 [1] : vector<1024x128xf32> to vector<1024xf32>
    %broadcast_in_dim3A_175 = vector.shape_cast %reduce_max3A_174 : vector<1024xf32> to vector<1024x1xf32>
    %slice3A_176 = vector.extract_strided_slice %div3A_7 {offsets = [1664, 0], sizes = [128, 128], strides = [1, 1]} : vector<2048x128xf32> to vector<128x128xf32>
    %dot_general3A_177 = arith.constant dense<0.000000e+00> : vector<1024x128xf32>
    %dot_general3A_178 = tpu.matmul %get3A_10, %slice3A_176, %dot_general3A_177 {dimension_numbers = #tpu.dot_dimension_numbers<[1], [1], [0], [0], [0, 0, 1, 0], [], []>, transpose_lhs_hint = false} : vector<1024x128xf32>, vector<128x128xf32>, vector<1024x128xf32> -> vector<1024x128xf32>
    %swap3A_179 = arith.constant 0 : index
    %swap3A_180 = arith.constant 13 : index
    %swap3A_181 = arith.constant 0 : index
    %swap3A_182 = arith.constant 0 : index
    %swap3A_183 = vector.load %arg3[%swap3A_179, %swap3A_180, %swap3A_181, %swap3A_182] : memref<1x16x1024x128xf32, #tpu.memory_space<vmem>>, vector<1x1x1024x128xf32>
    %swap3A_184 = vector.shape_cast %swap3A_183 : vector<1x1x1024x128xf32> to vector<1024x128xf32>
    %swap3A_185 = vector.shape_cast %dot_general3A_178 : vector<1024x128xf32> to vector<1x1x1024x128xf32>
    tpu.vector_store %arg3[%swap3A_179, %swap3A_180, %swap3A_181, %swap3A_182], %swap3A_185 {strides = array<i32>} : memref<1x16x1024x128xf32, #tpu.memory_space<vmem>>, vector<1x1x1024x128xf32>,
    %reduce_max3A_186 = arith.constant dense<0xFF800000> : vector<1024xf32>
    %reduce_max3A_187 = vector.multi_reduction <maximumf>, %dot_general3A_178, %reduce_max3A_186 [1] : vector<1024x128xf32> to vector<1024xf32>
    %broadcast_in_dim3A_188 = vector.shape_cast %reduce_max3A_187 : vector<1024xf32> to vector<1024x1xf32>
    %slice3A_189 = vector.extract_strided_slice %div3A_7 {offsets = [1792, 0], sizes = [128, 128], strides = [1, 1]} : vector<2048x128xf32> to vector<128x128xf32>
    %dot_general3A_190 = arith.constant dense<0.000000e+00> : vector<1024x128xf32>
    %dot_general3A_191 = tpu.matmul %get3A_10, %slice3A_189, %dot_general3A_190 {dimension_numbers = #tpu.dot_dimension_numbers<[1], [1], [0], [0], [0, 0, 1, 0], [], []>, transpose_lhs_hint = false} : vector<1024x128xf32>, vector<128x128xf32>, vector<1024x128xf32> -> vector<1024x128xf32>
    %swap3A_192 = arith.constant 0 : index
    %swap3A_193 = arith.constant 14 : index
    %swap3A_194 = arith.constant 0 : index
    %swap3A_195 = arith.constant 0 : index
    %swap3A_196 = vector.load %arg3[%swap3A_192, %swap3A_193, %swap3A_194, %swap3A_195] : memref<1x16x1024x128xf32, #tpu.memory_space<vmem>>, vector<1x1x1024x128xf32>
    %swap3A_197 = vector.shape_cast %swap3A_196 : vector<1x1x1024x128xf32> to vector<1024x128xf32>
    %swap3A_198 = vector.shape_cast %dot_general3A_191 : vector<1024x128xf32> to vector<1x1x1024x128xf32>
    tpu.vector_store %arg3[%swap3A_192, %swap3A_193, %swap3A_194, %swap3A_195], %swap3A_198 {strides = array<i32>} : memref<1x16x1024x128xf32, #tpu.memory_space<vmem>>, vector<1x1x1024x128xf32>,
    %reduce_max3A_199 = arith.constant dense<0xFF800000> : vector<1024xf32>
    %reduce_max3A_200 = vector.multi_reduction <maximumf>, %dot_general3A_191, %reduce_max3A_199 [1] : vector<1024x128xf32> to vector<1024xf32>
    %broadcast_in_dim3A_201 = vector.shape_cast %reduce_max3A_200 : vector<1024xf32> to vector<1024x1xf32>
    %slice3A_202 = vector.extract_strided_slice %div3A_7 {offsets = [1920, 0], sizes = [128, 128], strides = [1, 1]} : vector<2048x128xf32> to vector<128x128xf32>
    %dot_general3A_203 = arith.constant dense<0.000000e+00> : vector<1024x128xf32>
    %dot_general3A_204 = tpu.matmul %get3A_10, %slice3A_202, %dot_general3A_203 {dimension_numbers = #tpu.dot_dimension_numbers<[1], [1], [0], [0], [0, 0, 1, 0], [], []>, transpose_lhs_hint = false} : vector<1024x128xf32>, vector<128x128xf32>, vector<1024x128xf32> -> vector<1024x128xf32>
    %swap3A_205 = arith.constant 0 : index
    %swap3A_206 = arith.constant 15 : index
    %swap3A_207 = arith.constant 0 : index
    %swap3A_208 = arith.constant 0 : index
    %swap3A_209 = vector.load %arg3[%swap3A_205, %swap3A_206, %swap3A_207, %swap3A_208] : memref<1x16x1024x128xf32, #tpu.memory_space<vmem>>, vector<1x1x1024x128xf32>
    %swap3A_210 = vector.shape_cast %swap3A_209 : vector<1x1x1024x128xf32> to vector<1024x128xf32>
    %swap3A_211 = vector.shape_cast %dot_general3A_204 : vector<1024x128xf32> to vector<1x1x1024x128xf32>
    tpu.vector_store %arg3[%swap3A_205, %swap3A_206, %swap3A_207, %swap3A_208], %swap3A_211 {strides = array<i32>} : memref<1x16x1024x128xf32, #tpu.memory_space<vmem>>, vector<1x1x1024x128xf32>,
    %reduce_max3A_212 = arith.constant dense<0xFF800000> : vector<1024xf32>
    %reduce_max3A_213 = vector.multi_reduction <maximumf>, %dot_general3A_204, %reduce_max3A_212 [1] : vector<1024x128xf32> to vector<1024xf32>
    %broadcast_in_dim3A_214 = vector.shape_cast %reduce_max3A_213 : vector<1024xf32> to vector<1024x1xf32>
    %concatenate3A = tpu.concatenate %broadcast_in_dim3A_19, %broadcast_in_dim3A_32, %broadcast_in_dim3A_45, %broadcast_in_dim3A_58, %broadcast_in_dim3A_71, %broadcast_in_dim3A_84, %broadcast_in_dim3A_97, %broadcast_in_dim3A_110, %broadcast_in_dim3A_123, %broadcast_in_dim3A_136, %broadcast_in_dim3A_149, %broadcast_in_dim3A_162, %broadcast_in_dim3A_175, %broadcast_in_dim3A_188, %broadcast_in_dim3A_201, %broadcast_in_dim3A_214 in 1 : vector<1024x1xf32>, vector<1024x1xf32>, vector<1024x1xf32>, vector<1024x1xf32>, vector<1024x1xf32>, vector<1024x1xf32>, vector<1024x1xf32>, vector<1024x1xf32>, vector<1024x1xf32>, vector<1024x1xf32>, vector<1024x1xf32>, vector<1024x1xf32>, vector<1024x1xf32>, vector<1024x1xf32>, vector<1024x1xf32>, vector<1024x1xf32> -> vector<1024x16xf32>
    %transpose3A = tpu.transpose %concatenate3A, [1, 0] : vector<1024x16xf32> -> vector<16x1024xf32>
    %swap3A_215 = arith.constant 0 : index
    %swap3A_216 = arith.constant 0 : index
    %swap3A_217 = arith.constant 0 : index
    %swap3A_218 = vector.load %arg4[%swap3A_215, %swap3A_216, %swap3A_217] : memref<1x16x1024xf32, #tpu.memory_space<vmem>>, vector<1x16x1024xf32>
    %swap3A_219 = vector.shape_cast %swap3A_218 : vector<1x16x1024xf32> to vector<16x1024xf32>
    %swap3A_220 = vector.shape_cast %transpose3A : vector<16x1024xf32> to vector<1x16x1024xf32>
    tpu.vector_store %arg4[%swap3A_215, %swap3A_216, %swap3A_217], %swap3A_220 {strides = array<i32>} : memref<1x16x1024xf32, #tpu.memory_space<vmem>>, vector<1x16x1024xf32>,
    %eq3A_221 = arith.constant 48 : i32
    %eq3A_222 = arith.cmpi eq, %arg0, %eq3A_221 : i32
    %convert_element_type3A_223 = arith.extui %eq3A_222 : i1 to i32
    %cond3A_224 = arith.constant 0 : i32
    %cond3A_225 = arith.cmpi ne, %convert_element_type3A_223, %cond3A_224 : i32
    scf.if %cond3A_225 {
      %iota3A = tpu.iota {dimensions = array<i32: 1>} : vector<1024x128xi32>
      %add3A = arith.constant 99968 : i32
      %add3A_226 = vector.broadcast %add3A : i32 to vector<1024x128xi32>
      %add3A_227 = arith.addi %add3A_226, %iota3A : vector<1024x128xi32>
      %lt3A = arith.constant 100000 : i32
      %lt3A_228 = vector.broadcast %lt3A : i32 to vector<1024x128xi32>
      %lt3A_229 = arith.cmpi slt, %add3A_227, %lt3A_228 : vector<1024x128xi32>
      %jit3A = arith.constant -3.000000e+38 : f32
      %broadcast_in_dim3A_230 = vector.broadcast %jit3A : f32 to vector<1024x128xf32>
      %select_n3A = arith.select %lt3A_229, %dot_general3A_178, %broadcast_in_dim3A_230 : vector<1024x128xi1>, vector<1024x128xf32>
      %swap3A_231 = arith.constant 0 : index
      %swap3A_232 = arith.constant 13 : index
      %swap3A_233 = arith.constant 0 : index
      %swap3A_234 = arith.constant 0 : index
      %swap3A_235 = vector.load %arg3[%swap3A_231, %swap3A_232, %swap3A_233, %swap3A_234] : memref<1x16x1024x128xf32, #tpu.memory_space<vmem>>, vector<1x1x1024x128xf32>
      %swap3A_236 = vector.shape_cast %swap3A_235 : vector<1x1x1024x128xf32> to vector<1024x128xf32>
      %swap3A_237 = vector.shape_cast %select_n3A : vector<1024x128xf32> to vector<1x1x1024x128xf32>
      tpu.vector_store %arg3[%swap3A_231, %swap3A_232, %swap3A_233, %swap3A_234], %swap3A_237 {strides = array<i32>} : memref<1x16x1024x128xf32, #tpu.memory_space<vmem>>, vector<1x1x1024x128xf32>,
      %reduce_max3A_238 = arith.constant dense<0xFF800000> : vector<1024xf32>
      %reduce_max3A_239 = vector.multi_reduction <maximumf>, %select_n3A, %reduce_max3A_238 [1] : vector<1024x128xf32> to vector<1024xf32>
      %broadcast_in_dim3A_240 = vector.shape_cast %reduce_max3A_239 : vector<1024xf32> to vector<1024x1xf32>
      %add3A_241 = arith.constant 100096 : i32
      %add3A_242 = vector.broadcast %add3A_241 : i32 to vector<1024x128xi32>
      %add3A_243 = arith.addi %add3A_242, %iota3A : vector<1024x128xi32>
      %lt3A_244 = arith.constant 100000 : i32
      %lt3A_245 = vector.broadcast %lt3A_244 : i32 to vector<1024x128xi32>
      %lt3A_246 = arith.cmpi slt, %add3A_243, %lt3A_245 : vector<1024x128xi32>
      %jit3A_247 = arith.constant -3.000000e+38 : f32
      %broadcast_in_dim3A_248 = vector.broadcast %jit3A_247 : f32 to vector<1024x128xf32>
      %select_n3A_249 = arith.select %lt3A_246, %dot_general3A_191, %broadcast_in_dim3A_248 : vector<1024x128xi1>, vector<1024x128xf32>
      %swap3A_250 = arith.constant 0 : index
      %swap3A_251 = arith.constant 14 : index
      %swap3A_252 = arith.constant 0 : index
      %swap3A_253 = arith.constant 0 : index
      %swap3A_254 = vector.load %arg3[%swap3A_250, %swap3A_251, %swap3A_252, %swap3A_253] : memref<1x16x1024x128xf32, #tpu.memory_space<vmem>>, vector<1x1x1024x128xf32>
      %swap3A_255 = vector.shape_cast %swap3A_254 : vector<1x1x1024x128xf32> to vector<1024x128xf32>
      %swap3A_256 = vector.shape_cast %select_n3A_249 : vector<1024x128xf32> to vector<1x1x1024x128xf32>
      tpu.vector_store %arg3[%swap3A_250, %swap3A_251, %swap3A_252, %swap3A_253], %swap3A_256 {strides = array<i32>} : memref<1x16x1024x128xf32, #tpu.memory_space<vmem>>, vector<1x1x1024x128xf32>,
      %reduce_max3A_257 = arith.constant dense<0xFF800000> : vector<1024xf32>
      %reduce_max3A_258 = vector.multi_reduction <maximumf>, %select_n3A_249, %reduce_max3A_257 [1] : vector<1024x128xf32> to vector<1024xf32>
      %broadcast_in_dim3A_259 = vector.shape_cast %reduce_max3A_258 : vector<1024xf32> to vector<1024x1xf32>
      %add3A_260 = arith.constant 100224 : i32
      %add3A_261 = vector.broadcast %add3A_260 : i32 to vector<1024x128xi32>
      %add3A_262 = arith.addi %add3A_261, %iota3A : vector<1024x128xi32>
      %lt3A_263 = arith.constant 100000 : i32
      %lt3A_264 = vector.broadcast %lt3A_263 : i32 to vector<1024x128xi32>
      %lt3A_265 = arith.cmpi slt, %add3A_262, %lt3A_264 : vector<1024x128xi32>
      %jit3A_266 = arith.constant -3.000000e+38 : f32
      %broadcast_in_dim3A_267 = vector.broadcast %jit3A_266 : f32 to vector<1024x128xf32>
      %select_n3A_268 = arith.select %lt3A_265, %dot_general3A_204, %broadcast_in_dim3A_267 : vector<1024x128xi1>, vector<1024x128xf32>
      %swap3A_269 = arith.constant 0 : index
      %swap3A_270 = arith.constant 15 : index
      %swap3A_271 = arith.constant 0 : index
      %swap3A_272 = arith.constant 0 : index
      %swap3A_273 = vector.load %arg3[%swap3A_269, %swap3A_270, %swap3A_271, %swap3A_272] : memref<1x16x1024x128xf32, #tpu.memory_space<vmem>>, vector<1x1x1024x128xf32>
      %swap3A_274 = vector.shape_cast %swap3A_273 : vector<1x1x1024x128xf32> to vector<1024x128xf32>
      %swap3A_275 = vector.shape_cast %select_n3A_268 : vector<1024x128xf32> to vector<1x1x1024x128xf32>
      tpu.vector_store %arg3[%swap3A_269, %swap3A_270, %swap3A_271, %swap3A_272], %swap3A_275 {strides = array<i32>} : memref<1x16x1024x128xf32, #tpu.memory_space<vmem>>, vector<1x1x1024x128xf32>,
      %reduce_max3A_276 = arith.constant dense<0xFF800000> : vector<1024xf32>
      %reduce_max3A_277 = vector.multi_reduction <maximumf>, %select_n3A_268, %reduce_max3A_276 [1] : vector<1024x128xf32> to vector<1024xf32>
      %broadcast_in_dim3A_278 = vector.shape_cast %reduce_max3A_277 : vector<1024xf32> to vector<1024x1xf32>
      %concatenate3A_279 = tpu.concatenate %broadcast_in_dim3A_19, %broadcast_in_dim3A_32, %broadcast_in_dim3A_45, %broadcast_in_dim3A_58, %broadcast_in_dim3A_71, %broadcast_in_dim3A_84, %broadcast_in_dim3A_97, %broadcast_in_dim3A_110, %broadcast_in_dim3A_123, %broadcast_in_dim3A_136, %broadcast_in_dim3A_149, %broadcast_in_dim3A_162, %broadcast_in_dim3A_175, %broadcast_in_dim3A_240, %broadcast_in_dim3A_259, %broadcast_in_dim3A_278 in 1 : vector<1024x1xf32>, vector<1024x1xf32>, vector<1024x1xf32>, vector<1024x1xf32>, vector<1024x1xf32>, vector<1024x1xf32>, vector<1024x1xf32>, vector<1024x1xf32>, vector<1024x1xf32>, vector<1024x1xf32>, vector<1024x1xf32>, vector<1024x1xf32>, vector<1024x1xf32>, vector<1024x1xf32>, vector<1024x1xf32>, vector<1024x1xf32> -> vector<1024x16xf32>
      %transpose3A_280 = tpu.transpose %concatenate3A_279, [1, 0] : vector<1024x16xf32> -> vector<16x1024xf32>
      %swap3A_281 = arith.constant 0 : index
      %swap3A_282 = arith.constant 0 : index
      %swap3A_283 = arith.constant 0 : index
      %swap3A_284 = vector.load %arg4[%swap3A_281, %swap3A_282, %swap3A_283] : memref<1x16x1024xf32, #tpu.memory_space<vmem>>, vector<1x16x1024xf32>
      %swap3A_285 = vector.shape_cast %swap3A_284 : vector<1x16x1024xf32> to vector<16x1024xf32>
      %swap3A_286 = vector.shape_cast %transpose3A_280 : vector<16x1024xf32> to vector<1x16x1024xf32>
      tpu.vector_store %arg4[%swap3A_281, %swap3A_282, %swap3A_283], %swap3A_286 {strides = array<i32>} : memref<1x16x1024xf32, #tpu.memory_space<vmem>>, vector<1x16x1024xf32>,
    } else {
    }
    return
  }
  func.func @transform_0(%arg0: i32) -> (i32, i32) {
    %c0_i32 = arith.constant 0 : i32
    %c0_i32_0 = arith.constant 0 : i32
    %c0_i32_1 = arith.constant 0 : i32
    return %c0_i32, %c0_i32_0 : i32, i32
  }
  func.func @transform_1(%arg0: i32) -> (i32, i32) {
    %c0_i32 = arith.constant 0 : i32
    %c0_i32_0 = arith.constant 0 : i32
    return %arg0, %c0_i32 : i32, i32
  }
  func.func @transform_2(%arg0: i32) -> (i32, i32, i32, i32) {
    %c0_i32 = arith.constant 0 : i32
    %c0_i32_0 = arith.constant 0 : i32
    %c0_i32_1 = arith.constant 0 : i32
    %c0_i32_2 = arith.constant 0 : i32
    return %arg0, %c0_i32, %c0_i32_0, %c0_i32_1 : i32, i32, i32, i32
  }
  func.func @transform_3(%arg0: i32) -> (i32, i32, i32) {
    %c0_i32 = arith.constant 0 : i32
    %c0_i32_0 = arith.constant 0 : i32
    %c0_i32_1 = arith.constant 0 : i32
    return %arg0, %c0_i32, %c0_i32_0 : i32, i32, i32
  }
}

module attributes {stable_mosaic.version = 14 : i64} {
  func.func @_topchunk_kernel(%arg0: memref<49x16x1024xf32, #tpu.memory_space<vmem>>, %arg1: memref<24x1024xi32, #tpu.memory_space<vmem>>) attributes {dimension_semantics = [], scalar_prefetch = 0 : i64, scratch_operands = 0 : i64, tpu.core_type = #tpu.core_type<tc>} {
    %get3A = arith.constant 0 : index
    %get3A_0 = arith.constant 0 : index
    %get3A_1 = arith.constant 0 : index
    %get3A_2 = vector.load %arg0[%get3A, %get3A_0, %get3A_1] : memref<49x16x1024xf32, #tpu.memory_space<vmem>>, vector<1x16x1024xf32>
    %get3A_3 = vector.shape_cast %get3A_2 : vector<1x16x1024xf32> to vector<16x1024xf32>
    %get3A_4 = arith.constant 1 : index
    %get3A_5 = arith.constant 0 : index
    %get3A_6 = arith.constant 0 : index
    %get3A_7 = vector.load %arg0[%get3A_4, %get3A_5, %get3A_6] : memref<49x16x1024xf32, #tpu.memory_space<vmem>>, vector<1x16x1024xf32>
    %get3A_8 = vector.shape_cast %get3A_7 : vector<1x16x1024xf32> to vector<16x1024xf32>
    %get3A_9 = arith.constant 2 : index
    %get3A_10 = arith.constant 0 : index
    %get3A_11 = arith.constant 0 : index
    %get3A_12 = vector.load %arg0[%get3A_9, %get3A_10, %get3A_11] : memref<49x16x1024xf32, #tpu.memory_space<vmem>>, vector<1x16x1024xf32>
    %get3A_13 = vector.shape_cast %get3A_12 : vector<1x16x1024xf32> to vector<16x1024xf32>
    %get3A_14 = arith.constant 3 : index
    %get3A_15 = arith.constant 0 : index
    %get3A_16 = arith.constant 0 : index
    %get3A_17 = vector.load %arg0[%get3A_14, %get3A_15, %get3A_16] : memref<49x16x1024xf32, #tpu.memory_space<vmem>>, vector<1x16x1024xf32>
    %get3A_18 = vector.shape_cast %get3A_17 : vector<1x16x1024xf32> to vector<16x1024xf32>
    %get3A_19 = arith.constant 4 : index
    %get3A_20 = arith.constant 0 : index
    %get3A_21 = arith.constant 0 : index
    %get3A_22 = vector.load %arg0[%get3A_19, %get3A_20, %get3A_21] : memref<49x16x1024xf32, #tpu.memory_space<vmem>>, vector<1x16x1024xf32>
    %get3A_23 = vector.shape_cast %get3A_22 : vector<1x16x1024xf32> to vector<16x1024xf32>
    %get3A_24 = arith.constant 5 : index
    %get3A_25 = arith.constant 0 : index
    %get3A_26 = arith.constant 0 : index
    %get3A_27 = vector.load %arg0[%get3A_24, %get3A_25, %get3A_26] : memref<49x16x1024xf32, #tpu.memory_space<vmem>>, vector<1x16x1024xf32>
    %get3A_28 = vector.shape_cast %get3A_27 : vector<1x16x1024xf32> to vector<16x1024xf32>
    %get3A_29 = arith.constant 6 : index
    %get3A_30 = arith.constant 0 : index
    %get3A_31 = arith.constant 0 : index
    %get3A_32 = vector.load %arg0[%get3A_29, %get3A_30, %get3A_31] : memref<49x16x1024xf32, #tpu.memory_space<vmem>>, vector<1x16x1024xf32>
    %get3A_33 = vector.shape_cast %get3A_32 : vector<1x16x1024xf32> to vector<16x1024xf32>
    %get3A_34 = arith.constant 7 : index
    %get3A_35 = arith.constant 0 : index
    %get3A_36 = arith.constant 0 : index
    %get3A_37 = vector.load %arg0[%get3A_34, %get3A_35, %get3A_36] : memref<49x16x1024xf32, #tpu.memory_space<vmem>>, vector<1x16x1024xf32>
    %get3A_38 = vector.shape_cast %get3A_37 : vector<1x16x1024xf32> to vector<16x1024xf32>
    %get3A_39 = arith.constant 8 : index
    %get3A_40 = arith.constant 0 : index
    %get3A_41 = arith.constant 0 : index
    %get3A_42 = vector.load %arg0[%get3A_39, %get3A_40, %get3A_41] : memref<49x16x1024xf32, #tpu.memory_space<vmem>>, vector<1x16x1024xf32>
    %get3A_43 = vector.shape_cast %get3A_42 : vector<1x16x1024xf32> to vector<16x1024xf32>
    %get3A_44 = arith.constant 9 : index
    %get3A_45 = arith.constant 0 : index
    %get3A_46 = arith.constant 0 : index
    %get3A_47 = vector.load %arg0[%get3A_44, %get3A_45, %get3A_46] : memref<49x16x1024xf32, #tpu.memory_space<vmem>>, vector<1x16x1024xf32>
    %get3A_48 = vector.shape_cast %get3A_47 : vector<1x16x1024xf32> to vector<16x1024xf32>
    %get3A_49 = arith.constant 10 : index
    %get3A_50 = arith.constant 0 : index
    %get3A_51 = arith.constant 0 : index
    %get3A_52 = vector.load %arg0[%get3A_49, %get3A_50, %get3A_51] : memref<49x16x1024xf32, #tpu.memory_space<vmem>>, vector<1x16x1024xf32>
    %get3A_53 = vector.shape_cast %get3A_52 : vector<1x16x1024xf32> to vector<16x1024xf32>
    %get3A_54 = arith.constant 11 : index
    %get3A_55 = arith.constant 0 : index
    %get3A_56 = arith.constant 0 : index
    %get3A_57 = vector.load %arg0[%get3A_54, %get3A_55, %get3A_56] : memref<49x16x1024xf32, #tpu.memory_space<vmem>>, vector<1x16x1024xf32>
    %get3A_58 = vector.shape_cast %get3A_57 : vector<1x16x1024xf32> to vector<16x1024xf32>
    %get3A_59 = arith.constant 12 : index
    %get3A_60 = arith.constant 0 : index
    %get3A_61 = arith.constant 0 : index
    %get3A_62 = vector.load %arg0[%get3A_59, %get3A_60, %get3A_61] : memref<49x16x1024xf32, #tpu.memory_space<vmem>>, vector<1x16x1024xf32>
    %get3A_63 = vector.shape_cast %get3A_62 : vector<1x16x1024xf32> to vector<16x1024xf32>
    %get3A_64 = arith.constant 13 : index
    %get3A_65 = arith.constant 0 : index
    %get3A_66 = arith.constant 0 : index
    %get3A_67 = vector.load %arg0[%get3A_64, %get3A_65, %get3A_66] : memref<49x16x1024xf32, #tpu.memory_space<vmem>>, vector<1x16x1024xf32>
    %get3A_68 = vector.shape_cast %get3A_67 : vector<1x16x1024xf32> to vector<16x1024xf32>
    %get3A_69 = arith.constant 14 : index
    %get3A_70 = arith.constant 0 : index
    %get3A_71 = arith.constant 0 : index
    %get3A_72 = vector.load %arg0[%get3A_69, %get3A_70, %get3A_71] : memref<49x16x1024xf32, #tpu.memory_space<vmem>>, vector<1x16x1024xf32>
    %get3A_73 = vector.shape_cast %get3A_72 : vector<1x16x1024xf32> to vector<16x1024xf32>
    %get3A_74 = arith.constant 15 : index
    %get3A_75 = arith.constant 0 : index
    %get3A_76 = arith.constant 0 : index
    %get3A_77 = vector.load %arg0[%get3A_74, %get3A_75, %get3A_76] : memref<49x16x1024xf32, #tpu.memory_space<vmem>>, vector<1x16x1024xf32>
    %get3A_78 = vector.shape_cast %get3A_77 : vector<1x16x1024xf32> to vector<16x1024xf32>
    %get3A_79 = arith.constant 16 : index
    %get3A_80 = arith.constant 0 : index
    %get3A_81 = arith.constant 0 : index
    %get3A_82 = vector.load %arg0[%get3A_79, %get3A_80, %get3A_81] : memref<49x16x1024xf32, #tpu.memory_space<vmem>>, vector<1x16x1024xf32>
    %get3A_83 = vector.shape_cast %get3A_82 : vector<1x16x1024xf32> to vector<16x1024xf32>
    %get3A_84 = arith.constant 17 : index
    %get3A_85 = arith.constant 0 : index
    %get3A_86 = arith.constant 0 : index
    %get3A_87 = vector.load %arg0[%get3A_84, %get3A_85, %get3A_86] : memref<49x16x1024xf32, #tpu.memory_space<vmem>>, vector<1x16x1024xf32>
    %get3A_88 = vector.shape_cast %get3A_87 : vector<1x16x1024xf32> to vector<16x1024xf32>
    %get3A_89 = arith.constant 18 : index
    %get3A_90 = arith.constant 0 : index
    %get3A_91 = arith.constant 0 : index
    %get3A_92 = vector.load %arg0[%get3A_89, %get3A_90, %get3A_91] : memref<49x16x1024xf32, #tpu.memory_space<vmem>>, vector<1x16x1024xf32>
    %get3A_93 = vector.shape_cast %get3A_92 : vector<1x16x1024xf32> to vector<16x1024xf32>
    %get3A_94 = arith.constant 19 : index
    %get3A_95 = arith.constant 0 : index
    %get3A_96 = arith.constant 0 : index
    %get3A_97 = vector.load %arg0[%get3A_94, %get3A_95, %get3A_96] : memref<49x16x1024xf32, #tpu.memory_space<vmem>>, vector<1x16x1024xf32>
    %get3A_98 = vector.shape_cast %get3A_97 : vector<1x16x1024xf32> to vector<16x1024xf32>
    %get3A_99 = arith.constant 20 : index
    %get3A_100 = arith.constant 0 : index
    %get3A_101 = arith.constant 0 : index
    %get3A_102 = vector.load %arg0[%get3A_99, %get3A_100, %get3A_101] : memref<49x16x1024xf32, #tpu.memory_space<vmem>>, vector<1x16x1024xf32>
    %get3A_103 = vector.shape_cast %get3A_102 : vector<1x16x1024xf32> to vector<16x1024xf32>
    %get3A_104 = arith.constant 21 : index
    %get3A_105 = arith.constant 0 : index
    %get3A_106 = arith.constant 0 : index
    %get3A_107 = vector.load %arg0[%get3A_104, %get3A_105, %get3A_106] : memref<49x16x1024xf32, #tpu.memory_space<vmem>>, vector<1x16x1024xf32>
    %get3A_108 = vector.shape_cast %get3A_107 : vector<1x16x1024xf32> to vector<16x1024xf32>
    %get3A_109 = arith.constant 22 : index
    %get3A_110 = arith.constant 0 : index
    %get3A_111 = arith.constant 0 : index
    %get3A_112 = vector.load %arg0[%get3A_109, %get3A_110, %get3A_111] : memref<49x16x1024xf32, #tpu.memory_space<vmem>>, vector<1x16x1024xf32>
    %get3A_113 = vector.shape_cast %get3A_112 : vector<1x16x1024xf32> to vector<16x1024xf32>
    %get3A_114 = arith.constant 23 : index
    %get3A_115 = arith.constant 0 : index
    %get3A_116 = arith.constant 0 : index
    %get3A_117 = vector.load %arg0[%get3A_114, %get3A_115, %get3A_116] : memref<49x16x1024xf32, #tpu.memory_space<vmem>>, vector<1x16x1024xf32>
    %get3A_118 = vector.shape_cast %get3A_117 : vector<1x16x1024xf32> to vector<16x1024xf32>
    %get3A_119 = arith.constant 24 : index
    %get3A_120 = arith.constant 0 : index
    %get3A_121 = arith.constant 0 : index
    %get3A_122 = vector.load %arg0[%get3A_119, %get3A_120, %get3A_121] : memref<49x16x1024xf32, #tpu.memory_space<vmem>>, vector<1x16x1024xf32>
    %get3A_123 = vector.shape_cast %get3A_122 : vector<1x16x1024xf32> to vector<16x1024xf32>
    %get3A_124 = arith.constant 25 : index
    %get3A_125 = arith.constant 0 : index
    %get3A_126 = arith.constant 0 : index
    %get3A_127 = vector.load %arg0[%get3A_124, %get3A_125, %get3A_126] : memref<49x16x1024xf32, #tpu.memory_space<vmem>>, vector<1x16x1024xf32>
    %get3A_128 = vector.shape_cast %get3A_127 : vector<1x16x1024xf32> to vector<16x1024xf32>
    %get3A_129 = arith.constant 26 : index
    %get3A_130 = arith.constant 0 : index
    %get3A_131 = arith.constant 0 : index
    %get3A_132 = vector.load %arg0[%get3A_129, %get3A_130, %get3A_131] : memref<49x16x1024xf32, #tpu.memory_space<vmem>>, vector<1x16x1024xf32>
    %get3A_133 = vector.shape_cast %get3A_132 : vector<1x16x1024xf32> to vector<16x1024xf32>
    %get3A_134 = arith.constant 27 : index
    %get3A_135 = arith.constant 0 : index
    %get3A_136 = arith.constant 0 : index
    %get3A_137 = vector.load %arg0[%get3A_134, %get3A_135, %get3A_136] : memref<49x16x1024xf32, #tpu.memory_space<vmem>>, vector<1x16x1024xf32>
    %get3A_138 = vector.shape_cast %get3A_137 : vector<1x16x1024xf32> to vector<16x1024xf32>
    %get3A_139 = arith.constant 28 : index
    %get3A_140 = arith.constant 0 : index
    %get3A_141 = arith.constant 0 : index
    %get3A_142 = vector.load %arg0[%get3A_139, %get3A_140, %get3A_141] : memref<49x16x1024xf32, #tpu.memory_space<vmem>>, vector<1x16x1024xf32>
    %get3A_143 = vector.shape_cast %get3A_142 : vector<1x16x1024xf32> to vector<16x1024xf32>
    %get3A_144 = arith.constant 29 : index
    %get3A_145 = arith.constant 0 : index
    %get3A_146 = arith.constant 0 : index
    %get3A_147 = vector.load %arg0[%get3A_144, %get3A_145, %get3A_146] : memref<49x16x1024xf32, #tpu.memory_space<vmem>>, vector<1x16x1024xf32>
    %get3A_148 = vector.shape_cast %get3A_147 : vector<1x16x1024xf32> to vector<16x1024xf32>
    %get3A_149 = arith.constant 30 : index
    %get3A_150 = arith.constant 0 : index
    %get3A_151 = arith.constant 0 : index
    %get3A_152 = vector.load %arg0[%get3A_149, %get3A_150, %get3A_151] : memref<49x16x1024xf32, #tpu.memory_space<vmem>>, vector<1x16x1024xf32>
    %get3A_153 = vector.shape_cast %get3A_152 : vector<1x16x1024xf32> to vector<16x1024xf32>
    %get3A_154 = arith.constant 31 : index
    %get3A_155 = arith.constant 0 : index
    %get3A_156 = arith.constant 0 : index
    %get3A_157 = vector.load %arg0[%get3A_154, %get3A_155, %get3A_156] : memref<49x16x1024xf32, #tpu.memory_space<vmem>>, vector<1x16x1024xf32>
    %get3A_158 = vector.shape_cast %get3A_157 : vector<1x16x1024xf32> to vector<16x1024xf32>
    %get3A_159 = arith.constant 32 : index
    %get3A_160 = arith.constant 0 : index
    %get3A_161 = arith.constant 0 : index
    %get3A_162 = vector.load %arg0[%get3A_159, %get3A_160, %get3A_161] : memref<49x16x1024xf32, #tpu.memory_space<vmem>>, vector<1x16x1024xf32>
    %get3A_163 = vector.shape_cast %get3A_162 : vector<1x16x1024xf32> to vector<16x1024xf32>
    %get3A_164 = arith.constant 33 : index
    %get3A_165 = arith.constant 0 : index
    %get3A_166 = arith.constant 0 : index
    %get3A_167 = vector.load %arg0[%get3A_164, %get3A_165, %get3A_166] : memref<49x16x1024xf32, #tpu.memory_space<vmem>>, vector<1x16x1024xf32>
    %get3A_168 = vector.shape_cast %get3A_167 : vector<1x16x1024xf32> to vector<16x1024xf32>
    %get3A_169 = arith.constant 34 : index
    %get3A_170 = arith.constant 0 : index
    %get3A_171 = arith.constant 0 : index
    %get3A_172 = vector.load %arg0[%get3A_169, %get3A_170, %get3A_171] : memref<49x16x1024xf32, #tpu.memory_space<vmem>>, vector<1x16x1024xf32>
    %get3A_173 = vector.shape_cast %get3A_172 : vector<1x16x1024xf32> to vector<16x1024xf32>
    %get3A_174 = arith.constant 35 : index
    %get3A_175 = arith.constant 0 : index
    %get3A_176 = arith.constant 0 : index
    %get3A_177 = vector.load %arg0[%get3A_174, %get3A_175, %get3A_176] : memref<49x16x1024xf32, #tpu.memory_space<vmem>>, vector<1x16x1024xf32>
    %get3A_178 = vector.shape_cast %get3A_177 : vector<1x16x1024xf32> to vector<16x1024xf32>
    %get3A_179 = arith.constant 36 : index
    %get3A_180 = arith.constant 0 : index
    %get3A_181 = arith.constant 0 : index
    %get3A_182 = vector.load %arg0[%get3A_179, %get3A_180, %get3A_181] : memref<49x16x1024xf32, #tpu.memory_space<vmem>>, vector<1x16x1024xf32>
    %get3A_183 = vector.shape_cast %get3A_182 : vector<1x16x1024xf32> to vector<16x1024xf32>
    %get3A_184 = arith.constant 37 : index
    %get3A_185 = arith.constant 0 : index
    %get3A_186 = arith.constant 0 : index
    %get3A_187 = vector.load %arg0[%get3A_184, %get3A_185, %get3A_186] : memref<49x16x1024xf32, #tpu.memory_space<vmem>>, vector<1x16x1024xf32>
    %get3A_188 = vector.shape_cast %get3A_187 : vector<1x16x1024xf32> to vector<16x1024xf32>
    %get3A_189 = arith.constant 38 : index
    %get3A_190 = arith.constant 0 : index
    %get3A_191 = arith.constant 0 : index
    %get3A_192 = vector.load %arg0[%get3A_189, %get3A_190, %get3A_191] : memref<49x16x1024xf32, #tpu.memory_space<vmem>>, vector<1x16x1024xf32>
    %get3A_193 = vector.shape_cast %get3A_192 : vector<1x16x1024xf32> to vector<16x1024xf32>
    %get3A_194 = arith.constant 39 : index
    %get3A_195 = arith.constant 0 : index
    %get3A_196 = arith.constant 0 : index
    %get3A_197 = vector.load %arg0[%get3A_194, %get3A_195, %get3A_196] : memref<49x16x1024xf32, #tpu.memory_space<vmem>>, vector<1x16x1024xf32>
    %get3A_198 = vector.shape_cast %get3A_197 : vector<1x16x1024xf32> to vector<16x1024xf32>
    %get3A_199 = arith.constant 40 : index
    %get3A_200 = arith.constant 0 : index
    %get3A_201 = arith.constant 0 : index
    %get3A_202 = vector.load %arg0[%get3A_199, %get3A_200, %get3A_201] : memref<49x16x1024xf32, #tpu.memory_space<vmem>>, vector<1x16x1024xf32>
    %get3A_203 = vector.shape_cast %get3A_202 : vector<1x16x1024xf32> to vector<16x1024xf32>
    %get3A_204 = arith.constant 41 : index
    %get3A_205 = arith.constant 0 : index
    %get3A_206 = arith.constant 0 : index
    %get3A_207 = vector.load %arg0[%get3A_204, %get3A_205, %get3A_206] : memref<49x16x1024xf32, #tpu.memory_space<vmem>>, vector<1x16x1024xf32>
    %get3A_208 = vector.shape_cast %get3A_207 : vector<1x16x1024xf32> to vector<16x1024xf32>
    %get3A_209 = arith.constant 42 : index
    %get3A_210 = arith.constant 0 : index
    %get3A_211 = arith.constant 0 : index
    %get3A_212 = vector.load %arg0[%get3A_209, %get3A_210, %get3A_211] : memref<49x16x1024xf32, #tpu.memory_space<vmem>>, vector<1x16x1024xf32>
    %get3A_213 = vector.shape_cast %get3A_212 : vector<1x16x1024xf32> to vector<16x1024xf32>
    %get3A_214 = arith.constant 43 : index
    %get3A_215 = arith.constant 0 : index
    %get3A_216 = arith.constant 0 : index
    %get3A_217 = vector.load %arg0[%get3A_214, %get3A_215, %get3A_216] : memref<49x16x1024xf32, #tpu.memory_space<vmem>>, vector<1x16x1024xf32>
    %get3A_218 = vector.shape_cast %get3A_217 : vector<1x16x1024xf32> to vector<16x1024xf32>
    %get3A_219 = arith.constant 44 : index
    %get3A_220 = arith.constant 0 : index
    %get3A_221 = arith.constant 0 : index
    %get3A_222 = vector.load %arg0[%get3A_219, %get3A_220, %get3A_221] : memref<49x16x1024xf32, #tpu.memory_space<vmem>>, vector<1x16x1024xf32>
    %get3A_223 = vector.shape_cast %get3A_222 : vector<1x16x1024xf32> to vector<16x1024xf32>
    %get3A_224 = arith.constant 45 : index
    %get3A_225 = arith.constant 0 : index
    %get3A_226 = arith.constant 0 : index
    %get3A_227 = vector.load %arg0[%get3A_224, %get3A_225, %get3A_226] : memref<49x16x1024xf32, #tpu.memory_space<vmem>>, vector<1x16x1024xf32>
    %get3A_228 = vector.shape_cast %get3A_227 : vector<1x16x1024xf32> to vector<16x1024xf32>
    %get3A_229 = arith.constant 46 : index
    %get3A_230 = arith.constant 0 : index
    %get3A_231 = arith.constant 0 : index
    %get3A_232 = vector.load %arg0[%get3A_229, %get3A_230, %get3A_231] : memref<49x16x1024xf32, #tpu.memory_space<vmem>>, vector<1x16x1024xf32>
    %get3A_233 = vector.shape_cast %get3A_232 : vector<1x16x1024xf32> to vector<16x1024xf32>
    %get3A_234 = arith.constant 47 : index
    %get3A_235 = arith.constant 0 : index
    %get3A_236 = arith.constant 0 : index
    %get3A_237 = vector.load %arg0[%get3A_234, %get3A_235, %get3A_236] : memref<49x16x1024xf32, #tpu.memory_space<vmem>>, vector<1x16x1024xf32>
    %get3A_238 = vector.shape_cast %get3A_237 : vector<1x16x1024xf32> to vector<16x1024xf32>
    %get3A_239 = arith.constant 48 : index
    %get3A_240 = arith.constant 0 : index
    %get3A_241 = arith.constant 0 : index
    %get3A_242 = vector.load %arg0[%get3A_239, %get3A_240, %get3A_241] : memref<49x16x1024xf32, #tpu.memory_space<vmem>>, vector<1x16x1024xf32>
    %get3A_243 = vector.shape_cast %get3A_242 : vector<1x16x1024xf32> to vector<16x1024xf32>
    %concatenate3A = tpu.concatenate %get3A_3, %get3A_8, %get3A_13, %get3A_18, %get3A_23, %get3A_28, %get3A_33, %get3A_38, %get3A_43, %get3A_48, %get3A_53, %get3A_58, %get3A_63, %get3A_68, %get3A_73, %get3A_78, %get3A_83, %get3A_88, %get3A_93, %get3A_98, %get3A_103, %get3A_108, %get3A_113, %get3A_118, %get3A_123, %get3A_128, %get3A_133, %get3A_138, %get3A_143, %get3A_148, %get3A_153, %get3A_158, %get3A_163, %get3A_168, %get3A_173, %get3A_178, %get3A_183, %get3A_188, %get3A_193, %get3A_198, %get3A_203, %get3A_208, %get3A_213, %get3A_218, %get3A_223, %get3A_228, %get3A_233, %get3A_238, %get3A_243 in 0 : vector<16x1024xf32>, vector<16x1024xf32>, vector<16x1024xf32>, vector<16x1024xf32>, vector<16x1024xf32>, vector<16x1024xf32>, vector<16x1024xf32>, vector<16x1024xf32>, vector<16x1024xf32>, vector<16x1024xf32>, vector<16x1024xf32>, vector<16x1024xf32>, vector<16x1024xf32>, vector<16x1024xf32>, vector<16x1024xf32>, vector<16x1024xf32>, vector<16x1024xf32>, vector<16x1024xf32>, vector<16x1024xf32>, vector<16x1024xf32>, vector<16x1024xf32>, vector<16x1024xf32>, vector<16x1024xf32>, vector<16x1024xf32>, vector<16x1024xf32>, vector<16x1024xf32>, vector<16x1024xf32>, vector<16x1024xf32>, vector<16x1024xf32>, vector<16x1024xf32>, vector<16x1024xf32>, vector<16x1024xf32>, vector<16x1024xf32>, vector<16x1024xf32>, vector<16x1024xf32>, vector<16x1024xf32>, vector<16x1024xf32>, vector<16x1024xf32>, vector<16x1024xf32>, vector<16x1024xf32>, vector<16x1024xf32>, vector<16x1024xf32>, vector<16x1024xf32>, vector<16x1024xf32>, vector<16x1024xf32>, vector<16x1024xf32>, vector<16x1024xf32>, vector<16x1024xf32>, vector<16x1024xf32> -> vector<784x1024xf32>
    %iota3A = tpu.iota {dimensions = array<i32: 0>} : vector<784x1024xi32>
    %iota3A_244 = tpu.iota {dimensions = array<i32: 0>} : vector<24x1024xi32>
    %broadcast_in_dim3A = arith.constant 0 : i32
    %broadcast_in_dim3A_245 = vector.broadcast %broadcast_in_dim3A : i32 to vector<24x1024xi32>
    %reduce_max3A = arith.constant dense<0xFF800000> : vector<1024xf32>
    %reduce_max3A_246 = vector.multi_reduction <maximumf>, %concatenate3A, %reduce_max3A [0] : vector<784x1024xf32> to vector<1024xf32>
    %broadcast_in_dim3A_247 = vector.shape_cast %reduce_max3A_246 : vector<1024xf32> to vector<1x1024xf32>
    %eq3A = vector.broadcast %broadcast_in_dim3A_247 : vector<1x1024xf32> to vector<784x1024xf32>
    %eq3A_248 = arith.cmpf oeq, %concatenate3A, %eq3A : vector<784x1024xf32>
    %jit3A = arith.constant 1073741824 : i32
    %broadcast_in_dim3A_249 = vector.broadcast %jit3A : i32 to vector<784x1024xi32>
    %select_n3A = arith.select %eq3A_248, %iota3A, %broadcast_in_dim3A_249 : vector<784x1024xi1>, vector<784x1024xi32>
    %reduce_min3A = arith.constant dense<2147483647> : vector<1024xi32>
    %reduce_min3A_250 = vector.multi_reduction <minsi>, %select_n3A, %reduce_min3A [0] : vector<784x1024xi32> to vector<1024xi32>
    %broadcast_in_dim3A_251 = vector.shape_cast %reduce_min3A_250 : vector<1024xi32> to vector<1x1024xi32>
    %eq3A_252 = arith.constant 0 : i32
    %eq3A_253 = vector.broadcast %eq3A_252 : i32 to vector<24x1024xi32>
    %eq3A_254 = arith.cmpi eq, %iota3A_244, %eq3A_253 : vector<24x1024xi32>
    %broadcast_in_dim3A_255 = vector.shape_cast %broadcast_in_dim3A_251 : vector<1x1024xi32> to vector<1x1024xi32>
    %broadcast_in_dim3A_256 = vector.broadcast %broadcast_in_dim3A_255 : vector<1x1024xi32> to vector<24x1024xi32>
    %select_n3A_257 = arith.select %eq3A_254, %broadcast_in_dim3A_256, %broadcast_in_dim3A_245 : vector<24x1024xi1>, vector<24x1024xi32>
    %eq3A_258 = vector.broadcast %broadcast_in_dim3A_251 : vector<1x1024xi32> to vector<784x1024xi32>
    %eq3A_259 = arith.cmpi eq, %iota3A, %eq3A_258 : vector<784x1024xi32>
    %jit3A_260 = arith.constant -3.000000e+38 : f32
    %broadcast_in_dim3A_261 = vector.broadcast %jit3A_260 : f32 to vector<784x1024xf32>
    %select_n3A_262 = arith.select %eq3A_259, %broadcast_in_dim3A_261, %concatenate3A : vector<784x1024xi1>, vector<784x1024xf32>
    %reduce_max3A_263 = arith.constant dense<0xFF800000> : vector<1024xf32>
    %reduce_max3A_264 = vector.multi_reduction <maximumf>, %select_n3A_262, %reduce_max3A_263 [0] : vector<784x1024xf32> to vector<1024xf32>
    %broadcast_in_dim3A_265 = vector.shape_cast %reduce_max3A_264 : vector<1024xf32> to vector<1x1024xf32>
    %eq3A_266 = vector.broadcast %broadcast_in_dim3A_265 : vector<1x1024xf32> to vector<784x1024xf32>
    %eq3A_267 = arith.cmpf oeq, %select_n3A_262, %eq3A_266 : vector<784x1024xf32>
    %jit3A_268 = arith.constant 1073741824 : i32
    %broadcast_in_dim3A_269 = vector.broadcast %jit3A_268 : i32 to vector<784x1024xi32>
    %select_n3A_270 = arith.select %eq3A_267, %iota3A, %broadcast_in_dim3A_269 : vector<784x1024xi1>, vector<784x1024xi32>
    %reduce_min3A_271 = arith.constant dense<2147483647> : vector<1024xi32>
    %reduce_min3A_272 = vector.multi_reduction <minsi>, %select_n3A_270, %reduce_min3A_271 [0] : vector<784x1024xi32> to vector<1024xi32>
    %broadcast_in_dim3A_273 = vector.shape_cast %reduce_min3A_272 : vector<1024xi32> to vector<1x1024xi32>
    %eq3A_274 = arith.constant 1 : i32
    %eq3A_275 = vector.broadcast %eq3A_274 : i32 to vector<24x1024xi32>
    %eq3A_276 = arith.cmpi eq, %iota3A_244, %eq3A_275 : vector<24x1024xi32>
    %broadcast_in_dim3A_277 = vector.shape_cast %broadcast_in_dim3A_273 : vector<1x1024xi32> to vector<1x1024xi32>
    %broadcast_in_dim3A_278 = vector.broadcast %broadcast_in_dim3A_277 : vector<1x1024xi32> to vector<24x1024xi32>
    %select_n3A_279 = arith.select %eq3A_276, %broadcast_in_dim3A_278, %select_n3A_257 : vector<24x1024xi1>, vector<24x1024xi32>
    %eq3A_280 = vector.broadcast %broadcast_in_dim3A_273 : vector<1x1024xi32> to vector<784x1024xi32>
    %eq3A_281 = arith.cmpi eq, %iota3A, %eq3A_280 : vector<784x1024xi32>
    %jit3A_282 = arith.constant -3.000000e+38 : f32
    %broadcast_in_dim3A_283 = vector.broadcast %jit3A_282 : f32 to vector<784x1024xf32>
    %select_n3A_284 = arith.select %eq3A_281, %broadcast_in_dim3A_283, %select_n3A_262 : vector<784x1024xi1>, vector<784x1024xf32>
    %reduce_max3A_285 = arith.constant dense<0xFF800000> : vector<1024xf32>
    %reduce_max3A_286 = vector.multi_reduction <maximumf>, %select_n3A_284, %reduce_max3A_285 [0] : vector<784x1024xf32> to vector<1024xf32>
    %broadcast_in_dim3A_287 = vector.shape_cast %reduce_max3A_286 : vector<1024xf32> to vector<1x1024xf32>
    %eq3A_288 = vector.broadcast %broadcast_in_dim3A_287 : vector<1x1024xf32> to vector<784x1024xf32>
    %eq3A_289 = arith.cmpf oeq, %select_n3A_284, %eq3A_288 : vector<784x1024xf32>
    %jit3A_290 = arith.constant 1073741824 : i32
    %broadcast_in_dim3A_291 = vector.broadcast %jit3A_290 : i32 to vector<784x1024xi32>
    %select_n3A_292 = arith.select %eq3A_289, %iota3A, %broadcast_in_dim3A_291 : vector<784x1024xi1>, vector<784x1024xi32>
    %reduce_min3A_293 = arith.constant dense<2147483647> : vector<1024xi32>
    %reduce_min3A_294 = vector.multi_reduction <minsi>, %select_n3A_292, %reduce_min3A_293 [0] : vector<784x1024xi32> to vector<1024xi32>
    %broadcast_in_dim3A_295 = vector.shape_cast %reduce_min3A_294 : vector<1024xi32> to vector<1x1024xi32>
    %eq3A_296 = arith.constant 2 : i32
    %eq3A_297 = vector.broadcast %eq3A_296 : i32 to vector<24x1024xi32>
    %eq3A_298 = arith.cmpi eq, %iota3A_244, %eq3A_297 : vector<24x1024xi32>
    %broadcast_in_dim3A_299 = vector.shape_cast %broadcast_in_dim3A_295 : vector<1x1024xi32> to vector<1x1024xi32>
    %broadcast_in_dim3A_300 = vector.broadcast %broadcast_in_dim3A_299 : vector<1x1024xi32> to vector<24x1024xi32>
    %select_n3A_301 = arith.select %eq3A_298, %broadcast_in_dim3A_300, %select_n3A_279 : vector<24x1024xi1>, vector<24x1024xi32>
    %eq3A_302 = vector.broadcast %broadcast_in_dim3A_295 : vector<1x1024xi32> to vector<784x1024xi32>
    %eq3A_303 = arith.cmpi eq, %iota3A, %eq3A_302 : vector<784x1024xi32>
    %jit3A_304 = arith.constant -3.000000e+38 : f32
    %broadcast_in_dim3A_305 = vector.broadcast %jit3A_304 : f32 to vector<784x1024xf32>
    %select_n3A_306 = arith.select %eq3A_303, %broadcast_in_dim3A_305, %select_n3A_284 : vector<784x1024xi1>, vector<784x1024xf32>
    %reduce_max3A_307 = arith.constant dense<0xFF800000> : vector<1024xf32>
    %reduce_max3A_308 = vector.multi_reduction <maximumf>, %select_n3A_306, %reduce_max3A_307 [0] : vector<784x1024xf32> to vector<1024xf32>
    %broadcast_in_dim3A_309 = vector.shape_cast %reduce_max3A_308 : vector<1024xf32> to vector<1x1024xf32>
    %eq3A_310 = vector.broadcast %broadcast_in_dim3A_309 : vector<1x1024xf32> to vector<784x1024xf32>
    %eq3A_311 = arith.cmpf oeq, %select_n3A_306, %eq3A_310 : vector<784x1024xf32>
    %jit3A_312 = arith.constant 1073741824 : i32
    %broadcast_in_dim3A_313 = vector.broadcast %jit3A_312 : i32 to vector<784x1024xi32>
    %select_n3A_314 = arith.select %eq3A_311, %iota3A, %broadcast_in_dim3A_313 : vector<784x1024xi1>, vector<784x1024xi32>
    %reduce_min3A_315 = arith.constant dense<2147483647> : vector<1024xi32>
    %reduce_min3A_316 = vector.multi_reduction <minsi>, %select_n3A_314, %reduce_min3A_315 [0] : vector<784x1024xi32> to vector<1024xi32>
    %broadcast_in_dim3A_317 = vector.shape_cast %reduce_min3A_316 : vector<1024xi32> to vector<1x1024xi32>
    %eq3A_318 = arith.constant 3 : i32
    %eq3A_319 = vector.broadcast %eq3A_318 : i32 to vector<24x1024xi32>
    %eq3A_320 = arith.cmpi eq, %iota3A_244, %eq3A_319 : vector<24x1024xi32>
    %broadcast_in_dim3A_321 = vector.shape_cast %broadcast_in_dim3A_317 : vector<1x1024xi32> to vector<1x1024xi32>
    %broadcast_in_dim3A_322 = vector.broadcast %broadcast_in_dim3A_321 : vector<1x1024xi32> to vector<24x1024xi32>
    %select_n3A_323 = arith.select %eq3A_320, %broadcast_in_dim3A_322, %select_n3A_301 : vector<24x1024xi1>, vector<24x1024xi32>
    %eq3A_324 = vector.broadcast %broadcast_in_dim3A_317 : vector<1x1024xi32> to vector<784x1024xi32>
    %eq3A_325 = arith.cmpi eq, %iota3A, %eq3A_324 : vector<784x1024xi32>
    %jit3A_326 = arith.constant -3.000000e+38 : f32
    %broadcast_in_dim3A_327 = vector.broadcast %jit3A_326 : f32 to vector<784x1024xf32>
    %select_n3A_328 = arith.select %eq3A_325, %broadcast_in_dim3A_327, %select_n3A_306 : vector<784x1024xi1>, vector<784x1024xf32>
    %reduce_max3A_329 = arith.constant dense<0xFF800000> : vector<1024xf32>
    %reduce_max3A_330 = vector.multi_reduction <maximumf>, %select_n3A_328, %reduce_max3A_329 [0] : vector<784x1024xf32> to vector<1024xf32>
    %broadcast_in_dim3A_331 = vector.shape_cast %reduce_max3A_330 : vector<1024xf32> to vector<1x1024xf32>
    %eq3A_332 = vector.broadcast %broadcast_in_dim3A_331 : vector<1x1024xf32> to vector<784x1024xf32>
    %eq3A_333 = arith.cmpf oeq, %select_n3A_328, %eq3A_332 : vector<784x1024xf32>
    %jit3A_334 = arith.constant 1073741824 : i32
    %broadcast_in_dim3A_335 = vector.broadcast %jit3A_334 : i32 to vector<784x1024xi32>
    %select_n3A_336 = arith.select %eq3A_333, %iota3A, %broadcast_in_dim3A_335 : vector<784x1024xi1>, vector<784x1024xi32>
    %reduce_min3A_337 = arith.constant dense<2147483647> : vector<1024xi32>
    %reduce_min3A_338 = vector.multi_reduction <minsi>, %select_n3A_336, %reduce_min3A_337 [0] : vector<784x1024xi32> to vector<1024xi32>
    %broadcast_in_dim3A_339 = vector.shape_cast %reduce_min3A_338 : vector<1024xi32> to vector<1x1024xi32>
    %eq3A_340 = arith.constant 4 : i32
    %eq3A_341 = vector.broadcast %eq3A_340 : i32 to vector<24x1024xi32>
    %eq3A_342 = arith.cmpi eq, %iota3A_244, %eq3A_341 : vector<24x1024xi32>
    %broadcast_in_dim3A_343 = vector.shape_cast %broadcast_in_dim3A_339 : vector<1x1024xi32> to vector<1x1024xi32>
    %broadcast_in_dim3A_344 = vector.broadcast %broadcast_in_dim3A_343 : vector<1x1024xi32> to vector<24x1024xi32>
    %select_n3A_345 = arith.select %eq3A_342, %broadcast_in_dim3A_344, %select_n3A_323 : vector<24x1024xi1>, vector<24x1024xi32>
    %eq3A_346 = vector.broadcast %broadcast_in_dim3A_339 : vector<1x1024xi32> to vector<784x1024xi32>
    %eq3A_347 = arith.cmpi eq, %iota3A, %eq3A_346 : vector<784x1024xi32>
    %jit3A_348 = arith.constant -3.000000e+38 : f32
    %broadcast_in_dim3A_349 = vector.broadcast %jit3A_348 : f32 to vector<784x1024xf32>
    %select_n3A_350 = arith.select %eq3A_347, %broadcast_in_dim3A_349, %select_n3A_328 : vector<784x1024xi1>, vector<784x1024xf32>
    %reduce_max3A_351 = arith.constant dense<0xFF800000> : vector<1024xf32>
    %reduce_max3A_352 = vector.multi_reduction <maximumf>, %select_n3A_350, %reduce_max3A_351 [0] : vector<784x1024xf32> to vector<1024xf32>
    %broadcast_in_dim3A_353 = vector.shape_cast %reduce_max3A_352 : vector<1024xf32> to vector<1x1024xf32>
    %eq3A_354 = vector.broadcast %broadcast_in_dim3A_353 : vector<1x1024xf32> to vector<784x1024xf32>
    %eq3A_355 = arith.cmpf oeq, %select_n3A_350, %eq3A_354 : vector<784x1024xf32>
    %jit3A_356 = arith.constant 1073741824 : i32
    %broadcast_in_dim3A_357 = vector.broadcast %jit3A_356 : i32 to vector<784x1024xi32>
    %select_n3A_358 = arith.select %eq3A_355, %iota3A, %broadcast_in_dim3A_357 : vector<784x1024xi1>, vector<784x1024xi32>
    %reduce_min3A_359 = arith.constant dense<2147483647> : vector<1024xi32>
    %reduce_min3A_360 = vector.multi_reduction <minsi>, %select_n3A_358, %reduce_min3A_359 [0] : vector<784x1024xi32> to vector<1024xi32>
    %broadcast_in_dim3A_361 = vector.shape_cast %reduce_min3A_360 : vector<1024xi32> to vector<1x1024xi32>
    %eq3A_362 = arith.constant 5 : i32
    %eq3A_363 = vector.broadcast %eq3A_362 : i32 to vector<24x1024xi32>
    %eq3A_364 = arith.cmpi eq, %iota3A_244, %eq3A_363 : vector<24x1024xi32>
    %broadcast_in_dim3A_365 = vector.shape_cast %broadcast_in_dim3A_361 : vector<1x1024xi32> to vector<1x1024xi32>
    %broadcast_in_dim3A_366 = vector.broadcast %broadcast_in_dim3A_365 : vector<1x1024xi32> to vector<24x1024xi32>
    %select_n3A_367 = arith.select %eq3A_364, %broadcast_in_dim3A_366, %select_n3A_345 : vector<24x1024xi1>, vector<24x1024xi32>
    %eq3A_368 = vector.broadcast %broadcast_in_dim3A_361 : vector<1x1024xi32> to vector<784x1024xi32>
    %eq3A_369 = arith.cmpi eq, %iota3A, %eq3A_368 : vector<784x1024xi32>
    %jit3A_370 = arith.constant -3.000000e+38 : f32
    %broadcast_in_dim3A_371 = vector.broadcast %jit3A_370 : f32 to vector<784x1024xf32>
    %select_n3A_372 = arith.select %eq3A_369, %broadcast_in_dim3A_371, %select_n3A_350 : vector<784x1024xi1>, vector<784x1024xf32>
    %reduce_max3A_373 = arith.constant dense<0xFF800000> : vector<1024xf32>
    %reduce_max3A_374 = vector.multi_reduction <maximumf>, %select_n3A_372, %reduce_max3A_373 [0] : vector<784x1024xf32> to vector<1024xf32>
    %broadcast_in_dim3A_375 = vector.shape_cast %reduce_max3A_374 : vector<1024xf32> to vector<1x1024xf32>
    %eq3A_376 = vector.broadcast %broadcast_in_dim3A_375 : vector<1x1024xf32> to vector<784x1024xf32>
    %eq3A_377 = arith.cmpf oeq, %select_n3A_372, %eq3A_376 : vector<784x1024xf32>
    %jit3A_378 = arith.constant 1073741824 : i32
    %broadcast_in_dim3A_379 = vector.broadcast %jit3A_378 : i32 to vector<784x1024xi32>
    %select_n3A_380 = arith.select %eq3A_377, %iota3A, %broadcast_in_dim3A_379 : vector<784x1024xi1>, vector<784x1024xi32>
    %reduce_min3A_381 = arith.constant dense<2147483647> : vector<1024xi32>
    %reduce_min3A_382 = vector.multi_reduction <minsi>, %select_n3A_380, %reduce_min3A_381 [0] : vector<784x1024xi32> to vector<1024xi32>
    %broadcast_in_dim3A_383 = vector.shape_cast %reduce_min3A_382 : vector<1024xi32> to vector<1x1024xi32>
    %eq3A_384 = arith.constant 6 : i32
    %eq3A_385 = vector.broadcast %eq3A_384 : i32 to vector<24x1024xi32>
    %eq3A_386 = arith.cmpi eq, %iota3A_244, %eq3A_385 : vector<24x1024xi32>
    %broadcast_in_dim3A_387 = vector.shape_cast %broadcast_in_dim3A_383 : vector<1x1024xi32> to vector<1x1024xi32>
    %broadcast_in_dim3A_388 = vector.broadcast %broadcast_in_dim3A_387 : vector<1x1024xi32> to vector<24x1024xi32>
    %select_n3A_389 = arith.select %eq3A_386, %broadcast_in_dim3A_388, %select_n3A_367 : vector<24x1024xi1>, vector<24x1024xi32>
    %eq3A_390 = vector.broadcast %broadcast_in_dim3A_383 : vector<1x1024xi32> to vector<784x1024xi32>
    %eq3A_391 = arith.cmpi eq, %iota3A, %eq3A_390 : vector<784x1024xi32>
    %jit3A_392 = arith.constant -3.000000e+38 : f32
    %broadcast_in_dim3A_393 = vector.broadcast %jit3A_392 : f32 to vector<784x1024xf32>
    %select_n3A_394 = arith.select %eq3A_391, %broadcast_in_dim3A_393, %select_n3A_372 : vector<784x1024xi1>, vector<784x1024xf32>
    %reduce_max3A_395 = arith.constant dense<0xFF800000> : vector<1024xf32>
    %reduce_max3A_396 = vector.multi_reduction <maximumf>, %select_n3A_394, %reduce_max3A_395 [0] : vector<784x1024xf32> to vector<1024xf32>
    %broadcast_in_dim3A_397 = vector.shape_cast %reduce_max3A_396 : vector<1024xf32> to vector<1x1024xf32>
    %eq3A_398 = vector.broadcast %broadcast_in_dim3A_397 : vector<1x1024xf32> to vector<784x1024xf32>
    %eq3A_399 = arith.cmpf oeq, %select_n3A_394, %eq3A_398 : vector<784x1024xf32>
    %jit3A_400 = arith.constant 1073741824 : i32
    %broadcast_in_dim3A_401 = vector.broadcast %jit3A_400 : i32 to vector<784x1024xi32>
    %select_n3A_402 = arith.select %eq3A_399, %iota3A, %broadcast_in_dim3A_401 : vector<784x1024xi1>, vector<784x1024xi32>
    %reduce_min3A_403 = arith.constant dense<2147483647> : vector<1024xi32>
    %reduce_min3A_404 = vector.multi_reduction <minsi>, %select_n3A_402, %reduce_min3A_403 [0] : vector<784x1024xi32> to vector<1024xi32>
    %broadcast_in_dim3A_405 = vector.shape_cast %reduce_min3A_404 : vector<1024xi32> to vector<1x1024xi32>
    %eq3A_406 = arith.constant 7 : i32
    %eq3A_407 = vector.broadcast %eq3A_406 : i32 to vector<24x1024xi32>
    %eq3A_408 = arith.cmpi eq, %iota3A_244, %eq3A_407 : vector<24x1024xi32>
    %broadcast_in_dim3A_409 = vector.shape_cast %broadcast_in_dim3A_405 : vector<1x1024xi32> to vector<1x1024xi32>
    %broadcast_in_dim3A_410 = vector.broadcast %broadcast_in_dim3A_409 : vector<1x1024xi32> to vector<24x1024xi32>
    %select_n3A_411 = arith.select %eq3A_408, %broadcast_in_dim3A_410, %select_n3A_389 : vector<24x1024xi1>, vector<24x1024xi32>
    %eq3A_412 = vector.broadcast %broadcast_in_dim3A_405 : vector<1x1024xi32> to vector<784x1024xi32>
    %eq3A_413 = arith.cmpi eq, %iota3A, %eq3A_412 : vector<784x1024xi32>
    %jit3A_414 = arith.constant -3.000000e+38 : f32
    %broadcast_in_dim3A_415 = vector.broadcast %jit3A_414 : f32 to vector<784x1024xf32>
    %select_n3A_416 = arith.select %eq3A_413, %broadcast_in_dim3A_415, %select_n3A_394 : vector<784x1024xi1>, vector<784x1024xf32>
    %reduce_max3A_417 = arith.constant dense<0xFF800000> : vector<1024xf32>
    %reduce_max3A_418 = vector.multi_reduction <maximumf>, %select_n3A_416, %reduce_max3A_417 [0] : vector<784x1024xf32> to vector<1024xf32>
    %broadcast_in_dim3A_419 = vector.shape_cast %reduce_max3A_418 : vector<1024xf32> to vector<1x1024xf32>
    %eq3A_420 = vector.broadcast %broadcast_in_dim3A_419 : vector<1x1024xf32> to vector<784x1024xf32>
    %eq3A_421 = arith.cmpf oeq, %select_n3A_416, %eq3A_420 : vector<784x1024xf32>
    %jit3A_422 = arith.constant 1073741824 : i32
    %broadcast_in_dim3A_423 = vector.broadcast %jit3A_422 : i32 to vector<784x1024xi32>
    %select_n3A_424 = arith.select %eq3A_421, %iota3A, %broadcast_in_dim3A_423 : vector<784x1024xi1>, vector<784x1024xi32>
    %reduce_min3A_425 = arith.constant dense<2147483647> : vector<1024xi32>
    %reduce_min3A_426 = vector.multi_reduction <minsi>, %select_n3A_424, %reduce_min3A_425 [0] : vector<784x1024xi32> to vector<1024xi32>
    %broadcast_in_dim3A_427 = vector.shape_cast %reduce_min3A_426 : vector<1024xi32> to vector<1x1024xi32>
    %eq3A_428 = arith.constant 8 : i32
    %eq3A_429 = vector.broadcast %eq3A_428 : i32 to vector<24x1024xi32>
    %eq3A_430 = arith.cmpi eq, %iota3A_244, %eq3A_429 : vector<24x1024xi32>
    %broadcast_in_dim3A_431 = vector.shape_cast %broadcast_in_dim3A_427 : vector<1x1024xi32> to vector<1x1024xi32>
    %broadcast_in_dim3A_432 = vector.broadcast %broadcast_in_dim3A_431 : vector<1x1024xi32> to vector<24x1024xi32>
    %select_n3A_433 = arith.select %eq3A_430, %broadcast_in_dim3A_432, %select_n3A_411 : vector<24x1024xi1>, vector<24x1024xi32>
    %eq3A_434 = vector.broadcast %broadcast_in_dim3A_427 : vector<1x1024xi32> to vector<784x1024xi32>
    %eq3A_435 = arith.cmpi eq, %iota3A, %eq3A_434 : vector<784x1024xi32>
    %jit3A_436 = arith.constant -3.000000e+38 : f32
    %broadcast_in_dim3A_437 = vector.broadcast %jit3A_436 : f32 to vector<784x1024xf32>
    %select_n3A_438 = arith.select %eq3A_435, %broadcast_in_dim3A_437, %select_n3A_416 : vector<784x1024xi1>, vector<784x1024xf32>
    %reduce_max3A_439 = arith.constant dense<0xFF800000> : vector<1024xf32>
    %reduce_max3A_440 = vector.multi_reduction <maximumf>, %select_n3A_438, %reduce_max3A_439 [0] : vector<784x1024xf32> to vector<1024xf32>
    %broadcast_in_dim3A_441 = vector.shape_cast %reduce_max3A_440 : vector<1024xf32> to vector<1x1024xf32>
    %eq3A_442 = vector.broadcast %broadcast_in_dim3A_441 : vector<1x1024xf32> to vector<784x1024xf32>
    %eq3A_443 = arith.cmpf oeq, %select_n3A_438, %eq3A_442 : vector<784x1024xf32>
    %jit3A_444 = arith.constant 1073741824 : i32
    %broadcast_in_dim3A_445 = vector.broadcast %jit3A_444 : i32 to vector<784x1024xi32>
    %select_n3A_446 = arith.select %eq3A_443, %iota3A, %broadcast_in_dim3A_445 : vector<784x1024xi1>, vector<784x1024xi32>
    %reduce_min3A_447 = arith.constant dense<2147483647> : vector<1024xi32>
    %reduce_min3A_448 = vector.multi_reduction <minsi>, %select_n3A_446, %reduce_min3A_447 [0] : vector<784x1024xi32> to vector<1024xi32>
    %broadcast_in_dim3A_449 = vector.shape_cast %reduce_min3A_448 : vector<1024xi32> to vector<1x1024xi32>
    %eq3A_450 = arith.constant 9 : i32
    %eq3A_451 = vector.broadcast %eq3A_450 : i32 to vector<24x1024xi32>
    %eq3A_452 = arith.cmpi eq, %iota3A_244, %eq3A_451 : vector<24x1024xi32>
    %broadcast_in_dim3A_453 = vector.shape_cast %broadcast_in_dim3A_449 : vector<1x1024xi32> to vector<1x1024xi32>
    %broadcast_in_dim3A_454 = vector.broadcast %broadcast_in_dim3A_453 : vector<1x1024xi32> to vector<24x1024xi32>
    %select_n3A_455 = arith.select %eq3A_452, %broadcast_in_dim3A_454, %select_n3A_433 : vector<24x1024xi1>, vector<24x1024xi32>
    %swap3A = arith.constant 0 : index
    %swap3A_456 = arith.constant 0 : index
    %swap3A_457 = vector.load %arg1[%swap3A, %swap3A_456] : memref<24x1024xi32, #tpu.memory_space<vmem>>, vector<24x1024xi32>
    tpu.vector_store %arg1[%swap3A, %swap3A_456], %select_n3A_455 {strides = array<i32>} : memref<24x1024xi32, #tpu.memory_space<vmem>>, vector<24x1024xi32>,
    return
  }
}

module attributes {stable_mosaic.version = 14 : i64} {
  func.func @_final_topk_kernel(%arg0: memref<1024x1280xf32, #tpu.memory_space<vmem>>, %arg1: memref<1024x16xi32, #tpu.memory_space<vmem>>, %arg2: memref<1024x128xf32, #tpu.memory_space<vmem>>, %arg3: memref<1024x128xi32, #tpu.memory_space<vmem>>) attributes {dimension_semantics = [], scalar_prefetch = 0 : i64, scratch_operands = 0 : i64, tpu.core_type = #tpu.core_type<tc>} {
    %get3A = arith.constant 0 : index
    %get3A_0 = arith.constant 0 : index
    %get3A_1 = vector.load %arg0[%get3A, %get3A_0] : memref<1024x1280xf32, #tpu.memory_space<vmem>>, vector<1024x1280xf32>
    %iota3A = tpu.iota {dimensions = array<i32: 1>} : vector<1024x128xi32>
    %get3A_2 = arith.constant 0 : index
    %get3A_3 = arith.constant 0 : index
    %get3A_4 = vector.load %arg1[%get3A_2, %get3A_3] : memref<1024x16xi32, #tpu.memory_space<vmem>>, vector<1024x1xi32>
    %mul3A = arith.constant 128 : i32
    %mul3A_5 = vector.broadcast %mul3A : i32 to vector<1024x1xi32>
    %mul3A_6 = arith.muli %get3A_4, %mul3A_5 : vector<1024x1xi32>
    %add3A = vector.broadcast %mul3A_6 : vector<1024x1xi32> to vector<1024x128xi32>
    %add3A_7 = arith.addi %add3A, %iota3A : vector<1024x128xi32>
    %get3A_8 = arith.constant 0 : index
    %get3A_9 = arith.constant 1 : index
    %get3A_10 = vector.load %arg1[%get3A_8, %get3A_9] : memref<1024x16xi32, #tpu.memory_space<vmem>>, vector<1024x1xi32>
    %mul3A_11 = arith.constant 128 : i32
    %mul3A_12 = vector.broadcast %mul3A_11 : i32 to vector<1024x1xi32>
    %mul3A_13 = arith.muli %get3A_10, %mul3A_12 : vector<1024x1xi32>
    %add3A_14 = vector.broadcast %mul3A_13 : vector<1024x1xi32> to vector<1024x128xi32>
    %add3A_15 = arith.addi %add3A_14, %iota3A : vector<1024x128xi32>
    %get3A_16 = arith.constant 0 : index
    %get3A_17 = arith.constant 2 : index
    %get3A_18 = vector.load %arg1[%get3A_16, %get3A_17] : memref<1024x16xi32, #tpu.memory_space<vmem>>, vector<1024x1xi32>
    %mul3A_19 = arith.constant 128 : i32
    %mul3A_20 = vector.broadcast %mul3A_19 : i32 to vector<1024x1xi32>
    %mul3A_21 = arith.muli %get3A_18, %mul3A_20 : vector<1024x1xi32>
    %add3A_22 = vector.broadcast %mul3A_21 : vector<1024x1xi32> to vector<1024x128xi32>
    %add3A_23 = arith.addi %add3A_22, %iota3A : vector<1024x128xi32>
    %get3A_24 = arith.constant 0 : index
    %get3A_25 = arith.constant 3 : index
    %get3A_26 = vector.load %arg1[%get3A_24, %get3A_25] : memref<1024x16xi32, #tpu.memory_space<vmem>>, vector<1024x1xi32>
    %mul3A_27 = arith.constant 128 : i32
    %mul3A_28 = vector.broadcast %mul3A_27 : i32 to vector<1024x1xi32>
    %mul3A_29 = arith.muli %get3A_26, %mul3A_28 : vector<1024x1xi32>
    %add3A_30 = vector.broadcast %mul3A_29 : vector<1024x1xi32> to vector<1024x128xi32>
    %add3A_31 = arith.addi %add3A_30, %iota3A : vector<1024x128xi32>
    %get3A_32 = arith.constant 0 : index
    %get3A_33 = arith.constant 4 : index
    %get3A_34 = vector.load %arg1[%get3A_32, %get3A_33] : memref<1024x16xi32, #tpu.memory_space<vmem>>, vector<1024x1xi32>
    %mul3A_35 = arith.constant 128 : i32
    %mul3A_36 = vector.broadcast %mul3A_35 : i32 to vector<1024x1xi32>
    %mul3A_37 = arith.muli %get3A_34, %mul3A_36 : vector<1024x1xi32>
    %add3A_38 = vector.broadcast %mul3A_37 : vector<1024x1xi32> to vector<1024x128xi32>
    %add3A_39 = arith.addi %add3A_38, %iota3A : vector<1024x128xi32>
    %get3A_40 = arith.constant 0 : index
    %get3A_41 = arith.constant 5 : index
    %get3A_42 = vector.load %arg1[%get3A_40, %get3A_41] : memref<1024x16xi32, #tpu.memory_space<vmem>>, vector<1024x1xi32>
    %mul3A_43 = arith.constant 128 : i32
    %mul3A_44 = vector.broadcast %mul3A_43 : i32 to vector<1024x1xi32>
    %mul3A_45 = arith.muli %get3A_42, %mul3A_44 : vector<1024x1xi32>
    %add3A_46 = vector.broadcast %mul3A_45 : vector<1024x1xi32> to vector<1024x128xi32>
    %add3A_47 = arith.addi %add3A_46, %iota3A : vector<1024x128xi32>
    %get3A_48 = arith.constant 0 : index
    %get3A_49 = arith.constant 6 : index
    %get3A_50 = vector.load %arg1[%get3A_48, %get3A_49] : memref<1024x16xi32, #tpu.memory_space<vmem>>, vector<1024x1xi32>
    %mul3A_51 = arith.constant 128 : i32
    %mul3A_52 = vector.broadcast %mul3A_51 : i32 to vector<1024x1xi32>
    %mul3A_53 = arith.muli %get3A_50, %mul3A_52 : vector<1024x1xi32>
    %add3A_54 = vector.broadcast %mul3A_53 : vector<1024x1xi32> to vector<1024x128xi32>
    %add3A_55 = arith.addi %add3A_54, %iota3A : vector<1024x128xi32>
    %get3A_56 = arith.constant 0 : index
    %get3A_57 = arith.constant 7 : index
    %get3A_58 = vector.load %arg1[%get3A_56, %get3A_57] : memref<1024x16xi32, #tpu.memory_space<vmem>>, vector<1024x1xi32>
    %mul3A_59 = arith.constant 128 : i32
    %mul3A_60 = vector.broadcast %mul3A_59 : i32 to vector<1024x1xi32>
    %mul3A_61 = arith.muli %get3A_58, %mul3A_60 : vector<1024x1xi32>
    %add3A_62 = vector.broadcast %mul3A_61 : vector<1024x1xi32> to vector<1024x128xi32>
    %add3A_63 = arith.addi %add3A_62, %iota3A : vector<1024x128xi32>
    %get3A_64 = arith.constant 0 : index
    %get3A_65 = arith.constant 8 : index
    %get3A_66 = vector.load %arg1[%get3A_64, %get3A_65] : memref<1024x16xi32, #tpu.memory_space<vmem>>, vector<1024x1xi32>
    %mul3A_67 = arith.constant 128 : i32
    %mul3A_68 = vector.broadcast %mul3A_67 : i32 to vector<1024x1xi32>
    %mul3A_69 = arith.muli %get3A_66, %mul3A_68 : vector<1024x1xi32>
    %add3A_70 = vector.broadcast %mul3A_69 : vector<1024x1xi32> to vector<1024x128xi32>
    %add3A_71 = arith.addi %add3A_70, %iota3A : vector<1024x128xi32>
    %get3A_72 = arith.constant 0 : index
    %get3A_73 = arith.constant 9 : index
    %get3A_74 = vector.load %arg1[%get3A_72, %get3A_73] : memref<1024x16xi32, #tpu.memory_space<vmem>>, vector<1024x1xi32>
    %mul3A_75 = arith.constant 128 : i32
    %mul3A_76 = vector.broadcast %mul3A_75 : i32 to vector<1024x1xi32>
    %mul3A_77 = arith.muli %get3A_74, %mul3A_76 : vector<1024x1xi32>
    %add3A_78 = vector.broadcast %mul3A_77 : vector<1024x1xi32> to vector<1024x128xi32>
    %add3A_79 = arith.addi %add3A_78, %iota3A : vector<1024x128xi32>
    %concatenate3A = tpu.concatenate %add3A_7, %add3A_15, %add3A_23, %add3A_31, %add3A_39, %add3A_47, %add3A_55, %add3A_63, %add3A_71, %add3A_79 in 1 : vector<1024x128xi32>, vector<1024x128xi32>, vector<1024x128xi32>, vector<1024x128xi32>, vector<1024x128xi32>, vector<1024x128xi32>, vector<1024x128xi32>, vector<1024x128xi32>, vector<1024x128xi32>, vector<1024x128xi32> -> vector<1024x1280xi32>
    %iota3A_80 = tpu.iota {dimensions = array<i32: 1>} : vector<1024x128xi32>
    %broadcast_in_dim3A = arith.constant 0.000000e+00 : f32
    %broadcast_in_dim3A_81 = vector.broadcast %broadcast_in_dim3A : f32 to vector<1024x128xf32>
    %broadcast_in_dim3A_82 = arith.constant 0 : i32
    %broadcast_in_dim3A_83 = vector.broadcast %broadcast_in_dim3A_82 : i32 to vector<1024x128xi32>
    %reduce_max3A = arith.constant dense<0xFF800000> : vector<1024xf32>
    %reduce_max3A_84 = vector.multi_reduction <maximumf>, %get3A_1, %reduce_max3A [1] : vector<1024x1280xf32> to vector<1024xf32>
    %broadcast_in_dim3A_85 = vector.shape_cast %reduce_max3A_84 : vector<1024xf32> to vector<1024x1xf32>
    %eq3A = vector.broadcast %broadcast_in_dim3A_85 : vector<1024x1xf32> to vector<1024x1280xf32>
    %eq3A_86 = arith.cmpf oeq, %get3A_1, %eq3A : vector<1024x1280xf32>
    %jit3A = arith.constant 1073741824 : i32
    %broadcast_in_dim3A_87 = vector.broadcast %jit3A : i32 to vector<1024x1280xi32>
    %select_n3A = arith.select %eq3A_86, %concatenate3A, %broadcast_in_dim3A_87 : vector<1024x1280xi1>, vector<1024x1280xi32>
    %reduce_min3A = arith.constant dense<2147483647> : vector<1024xi32>
    %reduce_min3A_88 = vector.multi_reduction <minsi>, %select_n3A, %reduce_min3A [1] : vector<1024x1280xi32> to vector<1024xi32>
    %broadcast_in_dim3A_89 = vector.shape_cast %reduce_min3A_88 : vector<1024xi32> to vector<1024x1xi32>
    %eq3A_90 = arith.constant 0 : i32
    %eq3A_91 = vector.broadcast %eq3A_90 : i32 to vector<1024x128xi32>
    %eq3A_92 = arith.cmpi eq, %iota3A_80, %eq3A_91 : vector<1024x128xi32>
    %broadcast_in_dim3A_93 = vector.shape_cast %broadcast_in_dim3A_85 : vector<1024x1xf32> to vector<1024x1xf32>
    %broadcast_in_dim3A_94 = vector.broadcast %broadcast_in_dim3A_93 : vector<1024x1xf32> to vector<1024x128xf32>
    %select_n3A_95 = arith.select %eq3A_92, %broadcast_in_dim3A_94, %broadcast_in_dim3A_81 : vector<1024x128xi1>, vector<1024x128xf32>
    %eq3A_96 = arith.constant 0 : i32
    %eq3A_97 = vector.broadcast %eq3A_96 : i32 to vector<1024x128xi32>
    %eq3A_98 = arith.cmpi eq, %iota3A_80, %eq3A_97 : vector<1024x128xi32>
    %broadcast_in_dim3A_99 = vector.shape_cast %broadcast_in_dim3A_89 : vector<1024x1xi32> to vector<1024x1xi32>
    %broadcast_in_dim3A_100 = vector.broadcast %broadcast_in_dim3A_99 : vector<1024x1xi32> to vector<1024x128xi32>
    %select_n3A_101 = arith.select %eq3A_98, %broadcast_in_dim3A_100, %broadcast_in_dim3A_83 : vector<1024x128xi1>, vector<1024x128xi32>
    %eq3A_102 = vector.broadcast %broadcast_in_dim3A_85 : vector<1024x1xf32> to vector<1024x1280xf32>
    %eq3A_103 = arith.cmpf oeq, %get3A_1, %eq3A_102 : vector<1024x1280xf32>
    %eq3A_104 = vector.broadcast %broadcast_in_dim3A_89 : vector<1024x1xi32> to vector<1024x1280xi32>
    %eq3A_105 = arith.cmpi eq, %concatenate3A, %eq3A_104 : vector<1024x1280xi32>
    %and3A = arith.andi %eq3A_103, %eq3A_105 : vector<1024x1280xi1>
    %jit3A_106 = arith.constant -3.000000e+38 : f32
    %broadcast_in_dim3A_107 = vector.broadcast %jit3A_106 : f32 to vector<1024x1280xf32>
    %select_n3A_108 = arith.select %and3A, %broadcast_in_dim3A_107, %get3A_1 : vector<1024x1280xi1>, vector<1024x1280xf32>
    %reduce_max3A_109 = arith.constant dense<0xFF800000> : vector<1024xf32>
    %reduce_max3A_110 = vector.multi_reduction <maximumf>, %select_n3A_108, %reduce_max3A_109 [1] : vector<1024x1280xf32> to vector<1024xf32>
    %broadcast_in_dim3A_111 = vector.shape_cast %reduce_max3A_110 : vector<1024xf32> to vector<1024x1xf32>
    %eq3A_112 = vector.broadcast %broadcast_in_dim3A_111 : vector<1024x1xf32> to vector<1024x1280xf32>
    %eq3A_113 = arith.cmpf oeq, %select_n3A_108, %eq3A_112 : vector<1024x1280xf32>
    %jit3A_114 = arith.constant 1073741824 : i32
    %broadcast_in_dim3A_115 = vector.broadcast %jit3A_114 : i32 to vector<1024x1280xi32>
    %select_n3A_116 = arith.select %eq3A_113, %concatenate3A, %broadcast_in_dim3A_115 : vector<1024x1280xi1>, vector<1024x1280xi32>
    %reduce_min3A_117 = arith.constant dense<2147483647> : vector<1024xi32>
    %reduce_min3A_118 = vector.multi_reduction <minsi>, %select_n3A_116, %reduce_min3A_117 [1] : vector<1024x1280xi32> to vector<1024xi32>
    %broadcast_in_dim3A_119 = vector.shape_cast %reduce_min3A_118 : vector<1024xi32> to vector<1024x1xi32>
    %eq3A_120 = arith.constant 1 : i32
    %eq3A_121 = vector.broadcast %eq3A_120 : i32 to vector<1024x128xi32>
    %eq3A_122 = arith.cmpi eq, %iota3A_80, %eq3A_121 : vector<1024x128xi32>
    %broadcast_in_dim3A_123 = vector.shape_cast %broadcast_in_dim3A_111 : vector<1024x1xf32> to vector<1024x1xf32>
    %broadcast_in_dim3A_124 = vector.broadcast %broadcast_in_dim3A_123 : vector<1024x1xf32> to vector<1024x128xf32>
    %select_n3A_125 = arith.select %eq3A_122, %broadcast_in_dim3A_124, %select_n3A_95 : vector<1024x128xi1>, vector<1024x128xf32>
    %eq3A_126 = arith.constant 1 : i32
    %eq3A_127 = vector.broadcast %eq3A_126 : i32 to vector<1024x128xi32>
    %eq3A_128 = arith.cmpi eq, %iota3A_80, %eq3A_127 : vector<1024x128xi32>
    %broadcast_in_dim3A_129 = vector.shape_cast %broadcast_in_dim3A_119 : vector<1024x1xi32> to vector<1024x1xi32>
    %broadcast_in_dim3A_130 = vector.broadcast %broadcast_in_dim3A_129 : vector<1024x1xi32> to vector<1024x128xi32>
    %select_n3A_131 = arith.select %eq3A_128, %broadcast_in_dim3A_130, %select_n3A_101 : vector<1024x128xi1>, vector<1024x128xi32>
    %eq3A_132 = vector.broadcast %broadcast_in_dim3A_111 : vector<1024x1xf32> to vector<1024x1280xf32>
    %eq3A_133 = arith.cmpf oeq, %select_n3A_108, %eq3A_132 : vector<1024x1280xf32>
    %eq3A_134 = vector.broadcast %broadcast_in_dim3A_119 : vector<1024x1xi32> to vector<1024x1280xi32>
    %eq3A_135 = arith.cmpi eq, %concatenate3A, %eq3A_134 : vector<1024x1280xi32>
    %and3A_136 = arith.andi %eq3A_133, %eq3A_135 : vector<1024x1280xi1>
    %jit3A_137 = arith.constant -3.000000e+38 : f32
    %broadcast_in_dim3A_138 = vector.broadcast %jit3A_137 : f32 to vector<1024x1280xf32>
    %select_n3A_139 = arith.select %and3A_136, %broadcast_in_dim3A_138, %select_n3A_108 : vector<1024x1280xi1>, vector<1024x1280xf32>
    %reduce_max3A_140 = arith.constant dense<0xFF800000> : vector<1024xf32>
    %reduce_max3A_141 = vector.multi_reduction <maximumf>, %select_n3A_139, %reduce_max3A_140 [1] : vector<1024x1280xf32> to vector<1024xf32>
    %broadcast_in_dim3A_142 = vector.shape_cast %reduce_max3A_141 : vector<1024xf32> to vector<1024x1xf32>
    %eq3A_143 = vector.broadcast %broadcast_in_dim3A_142 : vector<1024x1xf32> to vector<1024x1280xf32>
    %eq3A_144 = arith.cmpf oeq, %select_n3A_139, %eq3A_143 : vector<1024x1280xf32>
    %jit3A_145 = arith.constant 1073741824 : i32
    %broadcast_in_dim3A_146 = vector.broadcast %jit3A_145 : i32 to vector<1024x1280xi32>
    %select_n3A_147 = arith.select %eq3A_144, %concatenate3A, %broadcast_in_dim3A_146 : vector<1024x1280xi1>, vector<1024x1280xi32>
    %reduce_min3A_148 = arith.constant dense<2147483647> : vector<1024xi32>
    %reduce_min3A_149 = vector.multi_reduction <minsi>, %select_n3A_147, %reduce_min3A_148 [1] : vector<1024x1280xi32> to vector<1024xi32>
    %broadcast_in_dim3A_150 = vector.shape_cast %reduce_min3A_149 : vector<1024xi32> to vector<1024x1xi32>
    %eq3A_151 = arith.constant 2 : i32
    %eq3A_152 = vector.broadcast %eq3A_151 : i32 to vector<1024x128xi32>
    %eq3A_153 = arith.cmpi eq, %iota3A_80, %eq3A_152 : vector<1024x128xi32>
    %broadcast_in_dim3A_154 = vector.shape_cast %broadcast_in_dim3A_142 : vector<1024x1xf32> to vector<1024x1xf32>
    %broadcast_in_dim3A_155 = vector.broadcast %broadcast_in_dim3A_154 : vector<1024x1xf32> to vector<1024x128xf32>
    %select_n3A_156 = arith.select %eq3A_153, %broadcast_in_dim3A_155, %select_n3A_125 : vector<1024x128xi1>, vector<1024x128xf32>
    %eq3A_157 = arith.constant 2 : i32
    %eq3A_158 = vector.broadcast %eq3A_157 : i32 to vector<1024x128xi32>
    %eq3A_159 = arith.cmpi eq, %iota3A_80, %eq3A_158 : vector<1024x128xi32>
    %broadcast_in_dim3A_160 = vector.shape_cast %broadcast_in_dim3A_150 : vector<1024x1xi32> to vector<1024x1xi32>
    %broadcast_in_dim3A_161 = vector.broadcast %broadcast_in_dim3A_160 : vector<1024x1xi32> to vector<1024x128xi32>
    %select_n3A_162 = arith.select %eq3A_159, %broadcast_in_dim3A_161, %select_n3A_131 : vector<1024x128xi1>, vector<1024x128xi32>
    %eq3A_163 = vector.broadcast %broadcast_in_dim3A_142 : vector<1024x1xf32> to vector<1024x1280xf32>
    %eq3A_164 = arith.cmpf oeq, %select_n3A_139, %eq3A_163 : vector<1024x1280xf32>
    %eq3A_165 = vector.broadcast %broadcast_in_dim3A_150 : vector<1024x1xi32> to vector<1024x1280xi32>
    %eq3A_166 = arith.cmpi eq, %concatenate3A, %eq3A_165 : vector<1024x1280xi32>
    %and3A_167 = arith.andi %eq3A_164, %eq3A_166 : vector<1024x1280xi1>
    %jit3A_168 = arith.constant -3.000000e+38 : f32
    %broadcast_in_dim3A_169 = vector.broadcast %jit3A_168 : f32 to vector<1024x1280xf32>
    %select_n3A_170 = arith.select %and3A_167, %broadcast_in_dim3A_169, %select_n3A_139 : vector<1024x1280xi1>, vector<1024x1280xf32>
    %reduce_max3A_171 = arith.constant dense<0xFF800000> : vector<1024xf32>
    %reduce_max3A_172 = vector.multi_reduction <maximumf>, %select_n3A_170, %reduce_max3A_171 [1] : vector<1024x1280xf32> to vector<1024xf32>
    %broadcast_in_dim3A_173 = vector.shape_cast %reduce_max3A_172 : vector<1024xf32> to vector<1024x1xf32>
    %eq3A_174 = vector.broadcast %broadcast_in_dim3A_173 : vector<1024x1xf32> to vector<1024x1280xf32>
    %eq3A_175 = arith.cmpf oeq, %select_n3A_170, %eq3A_174 : vector<1024x1280xf32>
    %jit3A_176 = arith.constant 1073741824 : i32
    %broadcast_in_dim3A_177 = vector.broadcast %jit3A_176 : i32 to vector<1024x1280xi32>
    %select_n3A_178 = arith.select %eq3A_175, %concatenate3A, %broadcast_in_dim3A_177 : vector<1024x1280xi1>, vector<1024x1280xi32>
    %reduce_min3A_179 = arith.constant dense<2147483647> : vector<1024xi32>
    %reduce_min3A_180 = vector.multi_reduction <minsi>, %select_n3A_178, %reduce_min3A_179 [1] : vector<1024x1280xi32> to vector<1024xi32>
    %broadcast_in_dim3A_181 = vector.shape_cast %reduce_min3A_180 : vector<1024xi32> to vector<1024x1xi32>
    %eq3A_182 = arith.constant 3 : i32
    %eq3A_183 = vector.broadcast %eq3A_182 : i32 to vector<1024x128xi32>
    %eq3A_184 = arith.cmpi eq, %iota3A_80, %eq3A_183 : vector<1024x128xi32>
    %broadcast_in_dim3A_185 = vector.shape_cast %broadcast_in_dim3A_173 : vector<1024x1xf32> to vector<1024x1xf32>
    %broadcast_in_dim3A_186 = vector.broadcast %broadcast_in_dim3A_185 : vector<1024x1xf32> to vector<1024x128xf32>
    %select_n3A_187 = arith.select %eq3A_184, %broadcast_in_dim3A_186, %select_n3A_156 : vector<1024x128xi1>, vector<1024x128xf32>
    %eq3A_188 = arith.constant 3 : i32
    %eq3A_189 = vector.broadcast %eq3A_188 : i32 to vector<1024x128xi32>
    %eq3A_190 = arith.cmpi eq, %iota3A_80, %eq3A_189 : vector<1024x128xi32>
    %broadcast_in_dim3A_191 = vector.shape_cast %broadcast_in_dim3A_181 : vector<1024x1xi32> to vector<1024x1xi32>
    %broadcast_in_dim3A_192 = vector.broadcast %broadcast_in_dim3A_191 : vector<1024x1xi32> to vector<1024x128xi32>
    %select_n3A_193 = arith.select %eq3A_190, %broadcast_in_dim3A_192, %select_n3A_162 : vector<1024x128xi1>, vector<1024x128xi32>
    %eq3A_194 = vector.broadcast %broadcast_in_dim3A_173 : vector<1024x1xf32> to vector<1024x1280xf32>
    %eq3A_195 = arith.cmpf oeq, %select_n3A_170, %eq3A_194 : vector<1024x1280xf32>
    %eq3A_196 = vector.broadcast %broadcast_in_dim3A_181 : vector<1024x1xi32> to vector<1024x1280xi32>
    %eq3A_197 = arith.cmpi eq, %concatenate3A, %eq3A_196 : vector<1024x1280xi32>
    %and3A_198 = arith.andi %eq3A_195, %eq3A_197 : vector<1024x1280xi1>
    %jit3A_199 = arith.constant -3.000000e+38 : f32
    %broadcast_in_dim3A_200 = vector.broadcast %jit3A_199 : f32 to vector<1024x1280xf32>
    %select_n3A_201 = arith.select %and3A_198, %broadcast_in_dim3A_200, %select_n3A_170 : vector<1024x1280xi1>, vector<1024x1280xf32>
    %reduce_max3A_202 = arith.constant dense<0xFF800000> : vector<1024xf32>
    %reduce_max3A_203 = vector.multi_reduction <maximumf>, %select_n3A_201, %reduce_max3A_202 [1] : vector<1024x1280xf32> to vector<1024xf32>
    %broadcast_in_dim3A_204 = vector.shape_cast %reduce_max3A_203 : vector<1024xf32> to vector<1024x1xf32>
    %eq3A_205 = vector.broadcast %broadcast_in_dim3A_204 : vector<1024x1xf32> to vector<1024x1280xf32>
    %eq3A_206 = arith.cmpf oeq, %select_n3A_201, %eq3A_205 : vector<1024x1280xf32>
    %jit3A_207 = arith.constant 1073741824 : i32
    %broadcast_in_dim3A_208 = vector.broadcast %jit3A_207 : i32 to vector<1024x1280xi32>
    %select_n3A_209 = arith.select %eq3A_206, %concatenate3A, %broadcast_in_dim3A_208 : vector<1024x1280xi1>, vector<1024x1280xi32>
    %reduce_min3A_210 = arith.constant dense<2147483647> : vector<1024xi32>
    %reduce_min3A_211 = vector.multi_reduction <minsi>, %select_n3A_209, %reduce_min3A_210 [1] : vector<1024x1280xi32> to vector<1024xi32>
    %broadcast_in_dim3A_212 = vector.shape_cast %reduce_min3A_211 : vector<1024xi32> to vector<1024x1xi32>
    %eq3A_213 = arith.constant 4 : i32
    %eq3A_214 = vector.broadcast %eq3A_213 : i32 to vector<1024x128xi32>
    %eq3A_215 = arith.cmpi eq, %iota3A_80, %eq3A_214 : vector<1024x128xi32>
    %broadcast_in_dim3A_216 = vector.shape_cast %broadcast_in_dim3A_204 : vector<1024x1xf32> to vector<1024x1xf32>
    %broadcast_in_dim3A_217 = vector.broadcast %broadcast_in_dim3A_216 : vector<1024x1xf32> to vector<1024x128xf32>
    %select_n3A_218 = arith.select %eq3A_215, %broadcast_in_dim3A_217, %select_n3A_187 : vector<1024x128xi1>, vector<1024x128xf32>
    %eq3A_219 = arith.constant 4 : i32
    %eq3A_220 = vector.broadcast %eq3A_219 : i32 to vector<1024x128xi32>
    %eq3A_221 = arith.cmpi eq, %iota3A_80, %eq3A_220 : vector<1024x128xi32>
    %broadcast_in_dim3A_222 = vector.shape_cast %broadcast_in_dim3A_212 : vector<1024x1xi32> to vector<1024x1xi32>
    %broadcast_in_dim3A_223 = vector.broadcast %broadcast_in_dim3A_222 : vector<1024x1xi32> to vector<1024x128xi32>
    %select_n3A_224 = arith.select %eq3A_221, %broadcast_in_dim3A_223, %select_n3A_193 : vector<1024x128xi1>, vector<1024x128xi32>
    %eq3A_225 = vector.broadcast %broadcast_in_dim3A_204 : vector<1024x1xf32> to vector<1024x1280xf32>
    %eq3A_226 = arith.cmpf oeq, %select_n3A_201, %eq3A_225 : vector<1024x1280xf32>
    %eq3A_227 = vector.broadcast %broadcast_in_dim3A_212 : vector<1024x1xi32> to vector<1024x1280xi32>
    %eq3A_228 = arith.cmpi eq, %concatenate3A, %eq3A_227 : vector<1024x1280xi32>
    %and3A_229 = arith.andi %eq3A_226, %eq3A_228 : vector<1024x1280xi1>
    %jit3A_230 = arith.constant -3.000000e+38 : f32
    %broadcast_in_dim3A_231 = vector.broadcast %jit3A_230 : f32 to vector<1024x1280xf32>
    %select_n3A_232 = arith.select %and3A_229, %broadcast_in_dim3A_231, %select_n3A_201 : vector<1024x1280xi1>, vector<1024x1280xf32>
    %reduce_max3A_233 = arith.constant dense<0xFF800000> : vector<1024xf32>
    %reduce_max3A_234 = vector.multi_reduction <maximumf>, %select_n3A_232, %reduce_max3A_233 [1] : vector<1024x1280xf32> to vector<1024xf32>
    %broadcast_in_dim3A_235 = vector.shape_cast %reduce_max3A_234 : vector<1024xf32> to vector<1024x1xf32>
    %eq3A_236 = vector.broadcast %broadcast_in_dim3A_235 : vector<1024x1xf32> to vector<1024x1280xf32>
    %eq3A_237 = arith.cmpf oeq, %select_n3A_232, %eq3A_236 : vector<1024x1280xf32>
    %jit3A_238 = arith.constant 1073741824 : i32
    %broadcast_in_dim3A_239 = vector.broadcast %jit3A_238 : i32 to vector<1024x1280xi32>
    %select_n3A_240 = arith.select %eq3A_237, %concatenate3A, %broadcast_in_dim3A_239 : vector<1024x1280xi1>, vector<1024x1280xi32>
    %reduce_min3A_241 = arith.constant dense<2147483647> : vector<1024xi32>
    %reduce_min3A_242 = vector.multi_reduction <minsi>, %select_n3A_240, %reduce_min3A_241 [1] : vector<1024x1280xi32> to vector<1024xi32>
    %broadcast_in_dim3A_243 = vector.shape_cast %reduce_min3A_242 : vector<1024xi32> to vector<1024x1xi32>
    %eq3A_244 = arith.constant 5 : i32
    %eq3A_245 = vector.broadcast %eq3A_244 : i32 to vector<1024x128xi32>
    %eq3A_246 = arith.cmpi eq, %iota3A_80, %eq3A_245 : vector<1024x128xi32>
    %broadcast_in_dim3A_247 = vector.shape_cast %broadcast_in_dim3A_235 : vector<1024x1xf32> to vector<1024x1xf32>
    %broadcast_in_dim3A_248 = vector.broadcast %broadcast_in_dim3A_247 : vector<1024x1xf32> to vector<1024x128xf32>
    %select_n3A_249 = arith.select %eq3A_246, %broadcast_in_dim3A_248, %select_n3A_218 : vector<1024x128xi1>, vector<1024x128xf32>
    %eq3A_250 = arith.constant 5 : i32
    %eq3A_251 = vector.broadcast %eq3A_250 : i32 to vector<1024x128xi32>
    %eq3A_252 = arith.cmpi eq, %iota3A_80, %eq3A_251 : vector<1024x128xi32>
    %broadcast_in_dim3A_253 = vector.shape_cast %broadcast_in_dim3A_243 : vector<1024x1xi32> to vector<1024x1xi32>
    %broadcast_in_dim3A_254 = vector.broadcast %broadcast_in_dim3A_253 : vector<1024x1xi32> to vector<1024x128xi32>
    %select_n3A_255 = arith.select %eq3A_252, %broadcast_in_dim3A_254, %select_n3A_224 : vector<1024x128xi1>, vector<1024x128xi32>
    %eq3A_256 = vector.broadcast %broadcast_in_dim3A_235 : vector<1024x1xf32> to vector<1024x1280xf32>
    %eq3A_257 = arith.cmpf oeq, %select_n3A_232, %eq3A_256 : vector<1024x1280xf32>
    %eq3A_258 = vector.broadcast %broadcast_in_dim3A_243 : vector<1024x1xi32> to vector<1024x1280xi32>
    %eq3A_259 = arith.cmpi eq, %concatenate3A, %eq3A_258 : vector<1024x1280xi32>
    %and3A_260 = arith.andi %eq3A_257, %eq3A_259 : vector<1024x1280xi1>
    %jit3A_261 = arith.constant -3.000000e+38 : f32
    %broadcast_in_dim3A_262 = vector.broadcast %jit3A_261 : f32 to vector<1024x1280xf32>
    %select_n3A_263 = arith.select %and3A_260, %broadcast_in_dim3A_262, %select_n3A_232 : vector<1024x1280xi1>, vector<1024x1280xf32>
    %reduce_max3A_264 = arith.constant dense<0xFF800000> : vector<1024xf32>
    %reduce_max3A_265 = vector.multi_reduction <maximumf>, %select_n3A_263, %reduce_max3A_264 [1] : vector<1024x1280xf32> to vector<1024xf32>
    %broadcast_in_dim3A_266 = vector.shape_cast %reduce_max3A_265 : vector<1024xf32> to vector<1024x1xf32>
    %eq3A_267 = vector.broadcast %broadcast_in_dim3A_266 : vector<1024x1xf32> to vector<1024x1280xf32>
    %eq3A_268 = arith.cmpf oeq, %select_n3A_263, %eq3A_267 : vector<1024x1280xf32>
    %jit3A_269 = arith.constant 1073741824 : i32
    %broadcast_in_dim3A_270 = vector.broadcast %jit3A_269 : i32 to vector<1024x1280xi32>
    %select_n3A_271 = arith.select %eq3A_268, %concatenate3A, %broadcast_in_dim3A_270 : vector<1024x1280xi1>, vector<1024x1280xi32>
    %reduce_min3A_272 = arith.constant dense<2147483647> : vector<1024xi32>
    %reduce_min3A_273 = vector.multi_reduction <minsi>, %select_n3A_271, %reduce_min3A_272 [1] : vector<1024x1280xi32> to vector<1024xi32>
    %broadcast_in_dim3A_274 = vector.shape_cast %reduce_min3A_273 : vector<1024xi32> to vector<1024x1xi32>
    %eq3A_275 = arith.constant 6 : i32
    %eq3A_276 = vector.broadcast %eq3A_275 : i32 to vector<1024x128xi32>
    %eq3A_277 = arith.cmpi eq, %iota3A_80, %eq3A_276 : vector<1024x128xi32>
    %broadcast_in_dim3A_278 = vector.shape_cast %broadcast_in_dim3A_266 : vector<1024x1xf32> to vector<1024x1xf32>
    %broadcast_in_dim3A_279 = vector.broadcast %broadcast_in_dim3A_278 : vector<1024x1xf32> to vector<1024x128xf32>
    %select_n3A_280 = arith.select %eq3A_277, %broadcast_in_dim3A_279, %select_n3A_249 : vector<1024x128xi1>, vector<1024x128xf32>
    %eq3A_281 = arith.constant 6 : i32
    %eq3A_282 = vector.broadcast %eq3A_281 : i32 to vector<1024x128xi32>
    %eq3A_283 = arith.cmpi eq, %iota3A_80, %eq3A_282 : vector<1024x128xi32>
    %broadcast_in_dim3A_284 = vector.shape_cast %broadcast_in_dim3A_274 : vector<1024x1xi32> to vector<1024x1xi32>
    %broadcast_in_dim3A_285 = vector.broadcast %broadcast_in_dim3A_284 : vector<1024x1xi32> to vector<1024x128xi32>
    %select_n3A_286 = arith.select %eq3A_283, %broadcast_in_dim3A_285, %select_n3A_255 : vector<1024x128xi1>, vector<1024x128xi32>
    %eq3A_287 = vector.broadcast %broadcast_in_dim3A_266 : vector<1024x1xf32> to vector<1024x1280xf32>
    %eq3A_288 = arith.cmpf oeq, %select_n3A_263, %eq3A_287 : vector<1024x1280xf32>
    %eq3A_289 = vector.broadcast %broadcast_in_dim3A_274 : vector<1024x1xi32> to vector<1024x1280xi32>
    %eq3A_290 = arith.cmpi eq, %concatenate3A, %eq3A_289 : vector<1024x1280xi32>
    %and3A_291 = arith.andi %eq3A_288, %eq3A_290 : vector<1024x1280xi1>
    %jit3A_292 = arith.constant -3.000000e+38 : f32
    %broadcast_in_dim3A_293 = vector.broadcast %jit3A_292 : f32 to vector<1024x1280xf32>
    %select_n3A_294 = arith.select %and3A_291, %broadcast_in_dim3A_293, %select_n3A_263 : vector<1024x1280xi1>, vector<1024x1280xf32>
    %reduce_max3A_295 = arith.constant dense<0xFF800000> : vector<1024xf32>
    %reduce_max3A_296 = vector.multi_reduction <maximumf>, %select_n3A_294, %reduce_max3A_295 [1] : vector<1024x1280xf32> to vector<1024xf32>
    %broadcast_in_dim3A_297 = vector.shape_cast %reduce_max3A_296 : vector<1024xf32> to vector<1024x1xf32>
    %eq3A_298 = vector.broadcast %broadcast_in_dim3A_297 : vector<1024x1xf32> to vector<1024x1280xf32>
    %eq3A_299 = arith.cmpf oeq, %select_n3A_294, %eq3A_298 : vector<1024x1280xf32>
    %jit3A_300 = arith.constant 1073741824 : i32
    %broadcast_in_dim3A_301 = vector.broadcast %jit3A_300 : i32 to vector<1024x1280xi32>
    %select_n3A_302 = arith.select %eq3A_299, %concatenate3A, %broadcast_in_dim3A_301 : vector<1024x1280xi1>, vector<1024x1280xi32>
    %reduce_min3A_303 = arith.constant dense<2147483647> : vector<1024xi32>
    %reduce_min3A_304 = vector.multi_reduction <minsi>, %select_n3A_302, %reduce_min3A_303 [1] : vector<1024x1280xi32> to vector<1024xi32>
    %broadcast_in_dim3A_305 = vector.shape_cast %reduce_min3A_304 : vector<1024xi32> to vector<1024x1xi32>
    %eq3A_306 = arith.constant 7 : i32
    %eq3A_307 = vector.broadcast %eq3A_306 : i32 to vector<1024x128xi32>
    %eq3A_308 = arith.cmpi eq, %iota3A_80, %eq3A_307 : vector<1024x128xi32>
    %broadcast_in_dim3A_309 = vector.shape_cast %broadcast_in_dim3A_297 : vector<1024x1xf32> to vector<1024x1xf32>
    %broadcast_in_dim3A_310 = vector.broadcast %broadcast_in_dim3A_309 : vector<1024x1xf32> to vector<1024x128xf32>
    %select_n3A_311 = arith.select %eq3A_308, %broadcast_in_dim3A_310, %select_n3A_280 : vector<1024x128xi1>, vector<1024x128xf32>
    %eq3A_312 = arith.constant 7 : i32
    %eq3A_313 = vector.broadcast %eq3A_312 : i32 to vector<1024x128xi32>
    %eq3A_314 = arith.cmpi eq, %iota3A_80, %eq3A_313 : vector<1024x128xi32>
    %broadcast_in_dim3A_315 = vector.shape_cast %broadcast_in_dim3A_305 : vector<1024x1xi32> to vector<1024x1xi32>
    %broadcast_in_dim3A_316 = vector.broadcast %broadcast_in_dim3A_315 : vector<1024x1xi32> to vector<1024x128xi32>
    %select_n3A_317 = arith.select %eq3A_314, %broadcast_in_dim3A_316, %select_n3A_286 : vector<1024x128xi1>, vector<1024x128xi32>
    %eq3A_318 = vector.broadcast %broadcast_in_dim3A_297 : vector<1024x1xf32> to vector<1024x1280xf32>
    %eq3A_319 = arith.cmpf oeq, %select_n3A_294, %eq3A_318 : vector<1024x1280xf32>
    %eq3A_320 = vector.broadcast %broadcast_in_dim3A_305 : vector<1024x1xi32> to vector<1024x1280xi32>
    %eq3A_321 = arith.cmpi eq, %concatenate3A, %eq3A_320 : vector<1024x1280xi32>
    %and3A_322 = arith.andi %eq3A_319, %eq3A_321 : vector<1024x1280xi1>
    %jit3A_323 = arith.constant -3.000000e+38 : f32
    %broadcast_in_dim3A_324 = vector.broadcast %jit3A_323 : f32 to vector<1024x1280xf32>
    %select_n3A_325 = arith.select %and3A_322, %broadcast_in_dim3A_324, %select_n3A_294 : vector<1024x1280xi1>, vector<1024x1280xf32>
    %reduce_max3A_326 = arith.constant dense<0xFF800000> : vector<1024xf32>
    %reduce_max3A_327 = vector.multi_reduction <maximumf>, %select_n3A_325, %reduce_max3A_326 [1] : vector<1024x1280xf32> to vector<1024xf32>
    %broadcast_in_dim3A_328 = vector.shape_cast %reduce_max3A_327 : vector<1024xf32> to vector<1024x1xf32>
    %eq3A_329 = vector.broadcast %broadcast_in_dim3A_328 : vector<1024x1xf32> to vector<1024x1280xf32>
    %eq3A_330 = arith.cmpf oeq, %select_n3A_325, %eq3A_329 : vector<1024x1280xf32>
    %jit3A_331 = arith.constant 1073741824 : i32
    %broadcast_in_dim3A_332 = vector.broadcast %jit3A_331 : i32 to vector<1024x1280xi32>
    %select_n3A_333 = arith.select %eq3A_330, %concatenate3A, %broadcast_in_dim3A_332 : vector<1024x1280xi1>, vector<1024x1280xi32>
    %reduce_min3A_334 = arith.constant dense<2147483647> : vector<1024xi32>
    %reduce_min3A_335 = vector.multi_reduction <minsi>, %select_n3A_333, %reduce_min3A_334 [1] : vector<1024x1280xi32> to vector<1024xi32>
    %broadcast_in_dim3A_336 = vector.shape_cast %reduce_min3A_335 : vector<1024xi32> to vector<1024x1xi32>
    %eq3A_337 = arith.constant 8 : i32
    %eq3A_338 = vector.broadcast %eq3A_337 : i32 to vector<1024x128xi32>
    %eq3A_339 = arith.cmpi eq, %iota3A_80, %eq3A_338 : vector<1024x128xi32>
    %broadcast_in_dim3A_340 = vector.shape_cast %broadcast_in_dim3A_328 : vector<1024x1xf32> to vector<1024x1xf32>
    %broadcast_in_dim3A_341 = vector.broadcast %broadcast_in_dim3A_340 : vector<1024x1xf32> to vector<1024x128xf32>
    %select_n3A_342 = arith.select %eq3A_339, %broadcast_in_dim3A_341, %select_n3A_311 : vector<1024x128xi1>, vector<1024x128xf32>
    %eq3A_343 = arith.constant 8 : i32
    %eq3A_344 = vector.broadcast %eq3A_343 : i32 to vector<1024x128xi32>
    %eq3A_345 = arith.cmpi eq, %iota3A_80, %eq3A_344 : vector<1024x128xi32>
    %broadcast_in_dim3A_346 = vector.shape_cast %broadcast_in_dim3A_336 : vector<1024x1xi32> to vector<1024x1xi32>
    %broadcast_in_dim3A_347 = vector.broadcast %broadcast_in_dim3A_346 : vector<1024x1xi32> to vector<1024x128xi32>
    %select_n3A_348 = arith.select %eq3A_345, %broadcast_in_dim3A_347, %select_n3A_317 : vector<1024x128xi1>, vector<1024x128xi32>
    %eq3A_349 = vector.broadcast %broadcast_in_dim3A_328 : vector<1024x1xf32> to vector<1024x1280xf32>
    %eq3A_350 = arith.cmpf oeq, %select_n3A_325, %eq3A_349 : vector<1024x1280xf32>
    %eq3A_351 = vector.broadcast %broadcast_in_dim3A_336 : vector<1024x1xi32> to vector<1024x1280xi32>
    %eq3A_352 = arith.cmpi eq, %concatenate3A, %eq3A_351 : vector<1024x1280xi32>
    %and3A_353 = arith.andi %eq3A_350, %eq3A_352 : vector<1024x1280xi1>
    %jit3A_354 = arith.constant -3.000000e+38 : f32
    %broadcast_in_dim3A_355 = vector.broadcast %jit3A_354 : f32 to vector<1024x1280xf32>
    %select_n3A_356 = arith.select %and3A_353, %broadcast_in_dim3A_355, %select_n3A_325 : vector<1024x1280xi1>, vector<1024x1280xf32>
    %reduce_max3A_357 = arith.constant dense<0xFF800000> : vector<1024xf32>
    %reduce_max3A_358 = vector.multi_reduction <maximumf>, %select_n3A_356, %reduce_max3A_357 [1] : vector<1024x1280xf32> to vector<1024xf32>
    %broadcast_in_dim3A_359 = vector.shape_cast %reduce_max3A_358 : vector<1024xf32> to vector<1024x1xf32>
    %eq3A_360 = vector.broadcast %broadcast_in_dim3A_359 : vector<1024x1xf32> to vector<1024x1280xf32>
    %eq3A_361 = arith.cmpf oeq, %select_n3A_356, %eq3A_360 : vector<1024x1280xf32>
    %jit3A_362 = arith.constant 1073741824 : i32
    %broadcast_in_dim3A_363 = vector.broadcast %jit3A_362 : i32 to vector<1024x1280xi32>
    %select_n3A_364 = arith.select %eq3A_361, %concatenate3A, %broadcast_in_dim3A_363 : vector<1024x1280xi1>, vector<1024x1280xi32>
    %reduce_min3A_365 = arith.constant dense<2147483647> : vector<1024xi32>
    %reduce_min3A_366 = vector.multi_reduction <minsi>, %select_n3A_364, %reduce_min3A_365 [1] : vector<1024x1280xi32> to vector<1024xi32>
    %broadcast_in_dim3A_367 = vector.shape_cast %reduce_min3A_366 : vector<1024xi32> to vector<1024x1xi32>
    %eq3A_368 = arith.constant 9 : i32
    %eq3A_369 = vector.broadcast %eq3A_368 : i32 to vector<1024x128xi32>
    %eq3A_370 = arith.cmpi eq, %iota3A_80, %eq3A_369 : vector<1024x128xi32>
    %broadcast_in_dim3A_371 = vector.shape_cast %broadcast_in_dim3A_359 : vector<1024x1xf32> to vector<1024x1xf32>
    %broadcast_in_dim3A_372 = vector.broadcast %broadcast_in_dim3A_371 : vector<1024x1xf32> to vector<1024x128xf32>
    %select_n3A_373 = arith.select %eq3A_370, %broadcast_in_dim3A_372, %select_n3A_342 : vector<1024x128xi1>, vector<1024x128xf32>
    %eq3A_374 = arith.constant 9 : i32
    %eq3A_375 = vector.broadcast %eq3A_374 : i32 to vector<1024x128xi32>
    %eq3A_376 = arith.cmpi eq, %iota3A_80, %eq3A_375 : vector<1024x128xi32>
    %broadcast_in_dim3A_377 = vector.shape_cast %broadcast_in_dim3A_367 : vector<1024x1xi32> to vector<1024x1xi32>
    %broadcast_in_dim3A_378 = vector.broadcast %broadcast_in_dim3A_377 : vector<1024x1xi32> to vector<1024x128xi32>
    %select_n3A_379 = arith.select %eq3A_376, %broadcast_in_dim3A_378, %select_n3A_348 : vector<1024x128xi1>, vector<1024x128xi32>
    %swap3A = arith.constant 0 : index
    %swap3A_380 = arith.constant 0 : index
    %swap3A_381 = vector.load %arg2[%swap3A, %swap3A_380] : memref<1024x128xf32, #tpu.memory_space<vmem>>, vector<1024x128xf32>
    tpu.vector_store %arg2[%swap3A, %swap3A_380], %select_n3A_373 {strides = array<i32>} : memref<1024x128xf32, #tpu.memory_space<vmem>>, vector<1024x128xf32>,
    %swap3A_382 = arith.constant 0 : index
    %swap3A_383 = arith.constant 0 : index
    %swap3A_384 = vector.load %arg3[%swap3A_382, %swap3A_383] : memref<1024x128xi32, #tpu.memory_space<vmem>>, vector<1024x128xi32>
    tpu.vector_store %arg3[%swap3A_382, %swap3A_383], %select_n3A_379 {strides = array<i32>} : memref<1024x128xi32, #tpu.memory_space<vmem>>, vector<1024x128xi32>,
    return
  }
}

</mosaic_0001>

<sc_bundles>
// kernel: kernel.10.cloned.1.call-start
scs
__scs_entry_jumppad:
0x0: {  	(pc) =	sbr.rel $0x88, $3  }
0x1: {  	(tag) =	ssettag $0x0;
	lr =	simm.s32 $0x1  }
0x2: {  	[smem:$0x3F9F] =	sst lr;
	_ =	strace $0xD0000000  }
0x3: {  	_ = 	snop  }
0x4: {  	_ = 	snop  }
0x5: {  	_ = 	snop  }
0x6: {  	_ = 	snop  }
0x7: {  	_ = 	snop  }
__scs_overlays_trampoline_lowered:
0x8: {  	[smem:$0x3FAE] =	sst s0  }
0x9: {  	[smem:$0x3FAF] =	sst s1  }
0xa: {  	[smem:$0x3FB0] =	sst s2  }
0xb: {  	[smem:$0x3FB1] =	sst s3  }
0xc: {  	[smem:$0x3FB2] =	sst s4  }
0xd: {  	[smem:$0x3FB3] =	sst s5  }
0xe: {  	[smem:$0x3FB4] =	sst s6  }
0xf: {  	[smem:$0x3FB5] =	sst s7  }
0x10: {  	[smem:$0x3FB6] =	sst s8  }
0x11: {  	[smem:$0x3FB7] =	sst s9;
	s0 =	simm.s32 @!p0 $0x0  }
0x12: {  	s1 =	sld [smem:$0x3F9D];
	s0 =	simm.s32 @p0 $0x1  }
0x13: {  	[smem:$0x3FB8] =	sst s0;
	s0 =	simm.s32 @!p1 $0x0  }
0x14: {  	s2 =	sld [smem:$0x3F9C];
	s0 =	simm.s32 @p1 $0x1  }
0x15: {  	[smem:$0x3FB9] =	sst s0;
	s0 =	simm.s32 @!p2 $0x0  }
0x16: {  	s3 =	sld [smem:$0x3FDB];
	s0 =	simm.s32 @p2 $0x1  }
0x17: {  	s4 =	simm.s32 $0x1BF5;
	[smem:$0x3FBB] =	sst s0  }
0x18: {  	s0 =	sld [smem:$0x3F9E];
	_ =	swait.ge [sflag:s4], $0x0  }
0x19: {  	s7 =	sld [smem:$0x3F9F]  }
0x1a: {  	s8 =	sadd.s32 $0xFFFFE003, lr  }
0x1b: {  	s9 =	sadd.s32 $0xFFFFFEF7, lr;
	s5 =	simm.s32 $0xFFFFFFFF;
	p2 =	slt.u32 s8, $0xFFFFF086  }
0x1c: {  	p1 =	slt.u32 s9, $0xF7A;
	s5 =	simm.s32 @!p2 $0x0  }
0x1d: {  	s5 =	simm.s32 @p1 $0x1;
	p0 =	seq.s32 s7, s2  }
0x1e: {  	s7 =	smul.u32 @!p0 $0xF7A, s2;
	p2 =	seq.s32 @!p0 s5, $0x0  }
0x1f: {  	s9 =	smul.u32 $0xF7A, s1;
	s8 =	simm.s32 @!p0 $0x1BF5;
	p2 =	por !p2, p0  }
0x20: {  	[sflag:s8] =	ssyncset.s32 @!p0 $0xFFFFF086;
	s6 =	sadd.s32 @!p0 s3, s7;
	s7 =	simm.s32 @!p0 $0x108  }
0x21: {  	s3 =	sadd.s32 s3, s9;
	s6 =	sadd.s32 @!p0 $0x88, s6;
	s7 =	simm.s32 @p2 $0x1082  }
0x22: {  	[simem:s7], [sflag:s8] =	dma.local @!p0 [hbm:s6], $0xF7A  }
0x23: {  	s9 =	sor.u32 $0xD0000000, s2;
	s6 =	simm.s32 $0x108;
	_ =	swait.ge @!p0 [sflag:s8], $0x0  }
0x24: {  	s3 =	sadd.s32 $0x88, s3;
	s6 =	simm.s32 @!p1 $0x1082;
	[sflag:s4] =	ssyncset.s32 $0xFFFFF086  }
0x25: {  	[simem:s6], [sflag:s4] =	dma.local [hbm:s3], $0xF7A  }
0x26: {  	[smem:$0x3F9F] =	sst s1;
	(tag) =	ssettag s2;
	_ =	strace s9  }
0x27: {  	s1 =	sld [smem:$0x3FAF]  }
0x28: {  	s2 =	sld [smem:$0x3FB0]  }
0x29: {  	s4 =	sld [smem:$0x3FB2]  }
0x2a: {  	p0 =	seq.s32 s5, $0x0;
	s5 =	sld [smem:$0x3FB3]  }
0x2b: {  	s6 =	sld [smem:$0x3FB4]  }
0x2c: {  	s7 =	sld [smem:$0x3FB5]  }
0x2d: {  	s3 =	simm.s32 $0x108;
	s8 =	sld [smem:$0x3FB6]  }
0x2e: {  	s3 =	simm.s32 @!p0 $0x1082;
	s9 =	sld [smem:$0x3FB7]  }
0x2f: {  	lr =	sadd.s32 s0, s3;
	s0 =	sld [smem:$0x3FAE]  }
0x30: {  	s3 =	sld [smem:$0x3FB1]  }
0x31: {  	[smem:$0x3FBA] =	sst s10  }
0x32: {  	s10 =	sld [smem:$0x3FB8];
	_ =	sdelay $0x3  }
0x33: {  	p0 =	seq.s32 s10, $0x1;
	s10 =	sld [smem:$0x3FBA];
	_ =	sdelay $0x3  }
0x34: {  	[smem:$0x3FBA] =	sst s10  }
0x35: {  	s10 =	sld [smem:$0x3FB9];
	_ =	sdelay $0x3  }
0x36: {  	p1 =	seq.s32 s10, $0x1;
	s10 =	sld [smem:$0x3FBA];
	_ =	sdelay $0x3  }
0x37: {  	[smem:$0x3FBA] =	sst s10  }
0x38: {  	s10 =	sld [smem:$0x3FBB]  }
0x39: {  	_ = 	snop;
	(pc) =	sbr.ind lr, $3  }
0x3a: {  	_ = 	snop  }
0x3b: {  	_ = 	snop  }
0x3c: {  	p2 =	seq.s32 s10, $0x1;
	s10 =	sld [smem:$0x3FBA]  }
0x3d: {  	_ =	shalt  }
0x3e: {  	_ =	shalt  }
0x3f: {  	_ =	shalt  }
0x40: {  	_ =	shalt  }
0x41: {  	_ =	shalt  }
0x42: {  	_ =	shalt  }
0x43: {  	_ =	shalt  }
0x44: {  	_ =	shalt  }
0x45: {  	_ =	shalt  }
0x46: {  	_ =	shalt  }
0x47: {  	_ =	shalt  }
0x48: {  	_ =	shalt  }
0x49: {  	_ =	shalt  }
0x4a: {  	_ =	shalt  }
0x4b: {  	_ =	shalt  }
0x4c: {  	_ =	shalt  }
0x4d: {  	_ =	shalt  }
0x4e: {  	_ =	shalt  }
0x4f: {  	_ =	shalt  }
0x50: {  	_ =	shalt  }
0x51: {  	_ =	shalt  }
0x52: {  	_ =	shalt  }
0x53: {  	_ =	shalt  }
0x54: {  	_ =	shalt  }
0x55: {  	_ =	shalt  }
0x56: {  	_ =	shalt  }
0x57: {  	_ =	shalt  }
0x58: {  	_ =	shalt  }
0x59: {  	_ =	shalt  }
0x5a: {  	_ =	shalt  }
0x5b: {  	_ =	shalt  }
0x5c: {  	_ =	shalt  }
0x5d: {  	_ =	shalt  }
0x5e: {  	_ =	shalt  }
0x5f: {  	_ =	shalt  }
0x60: {  	_ =	shalt  }
0x61: {  	_ =	shalt  }
0x62: {  	_ =	shalt  }
0x63: {  	_ =	shalt  }
0x64: {  	_ =	shalt  }
0x65: {  	_ =	shalt  }
0x66: {  	_ =	shalt  }
0x67: {  	_ =	shalt  }
0x68: {  	_ =	shalt  }
0x69: {  	_ =	shalt  }
0x6a: {  	_ =	shalt  }
0x6b: {  	_ =	shalt  }
0x6c: {  	_ =	shalt  }
0x6d: {  	_ =	shalt  }
0x6e: {  	_ =	shalt  }
0x6f: {  	_ =	shalt  }
0x70: {  	_ =	shalt  }
0x71: {  	_ =	shalt  }
0x72: {  	_ =	shalt  }
0x73: {  	_ =	shalt  }
0x74: {  	_ =	shalt  }
0x75: {  	_ =	shalt  }
0x76: {  	_ =	shalt  }
0x77: {  	_ =	shalt  }
0x78: {  	_ =	shalt  }
0x79: {  	_ =	shalt  }
0x7a: {  	_ =	shalt  }
0x7b: {  	_ =	shalt  }
0x7c: {  	_ =	shalt  }
0x7d: {  	_ =	shalt  }
0x7e: {  	_ =	shalt  }
0x7f: {  	_ =	shalt  }
0x80: {  	_ =	shalt  }
0x81: {  	_ =	shalt  }
0x82: {  	_ =	shalt  }
0x83: {  	_ =	shalt  }
0x84: {  	_ =	shalt  }
0x85: {  	_ =	shalt  }
0x86: {  	_ =	shalt  }
0x87: {  	_ =	shalt  }
.Lfunc_end0:
.L_simem_size_0:
called_computation.1_lowered:
.L_overlay_start_0:
0x88: {  	s2 =	sld [smem:$0x3FD9]  }
0x89: {  	s3 =	sld [smem:$0x3FFE];
	_ =	sdelay $0x1  }
0x8a: {  	s1 =	srdreg.scid  }
0x8b: {  	s0 =	sand.u32 $0x1, s1  }
0x8c: {  	s14 =	sshll.u32 s0, $0xA;
	s2 =	sadd.s32 s3, s2  }
0x8d: {  	s2 =	sadd.s32 s2, s14  }
0x8e: {  	[smem:$0x3FC6] =	sst s2  }
0x8f: {  	_ = 	snop  }
0x90: {  	s2 =	sld [smem:$0x3FD0];
	_ =	sdelay $0x2  }
0x91: {  	s4 =	simm.s32 $0xA;
	s5 =	simm.s32 $0x10;
	s15 =	sld [smem:$0x3FC8]  }
0x92: {  	[smem:s5], [sflag:s4] =	dma.local [hbm:s2], $0x1  }
0x93: {  	_ =	swait.eq [sflag:s4], $0x1  }
0x94: {  	[sflag:s4] =	ssyncset.done $0x0  }
0x95: {  	[sflag:s4] =	ssyncadd.s32 $0xFFFFFFFF  }
0x96: {  	s16 =	sld [smem:$0x12];
	(tm) =	ssettm $0x1  }
0x97: {  	s17 =	sld [smem:$0x3FFB];
	_ =	sdelay $0x3  }
0x98: {  	_ =	strace s17  }
0x99: {  	s4 =	sld [smem:$0x3FFC];
	_ =	sdelay $0x3  }
0x9a: {  	_ =	strace s4  }
0x9b: {  	s4 =	sld [smem:$0x3FFD];
	_ =	sdelay $0x3  }
0x9c: {  	_ =	strace s4  }
0x9d: {  	_ =	strace $0x8FFFFFFF  }
0x9e: {  	s18 =	sld [smem:$0x3FDB];
	_ =	sdelay $0x1  }
0x9f: {  	s19 =	simm.s32 $_scs_section_size  }
0xa0: {  	s6 =	simm.s32 $_size__tile_overlayer_lowered;
	s7 =	simm.s32 $_tile_overlayer_lowered  }
0xa1: {  	s22 =	simm.s32 $0x1BFF;
	s21 =	sshll.u32 s7, $0x1;
	s4 =	sadd.s32 s19, s18  }
0xa2: {  	s8 =	simm.s32 $0x0;
	s20 =	sshll.u32 s6, $0x1;
	s6 =	sadd.s32 s21, s4  }
0xa3: {  	[timem:s8], [sflag:s22] =	dma.local [hbm:s6], s20  }
0xa4: {  	_ =	swait.ge [sflag:s22], s20  }
0xa5: {  	s5 =	ssub.s32 $0x0, s20;
	[sflag:s22] =	ssyncset.done $0x0  }
0xa6: {  	[sflag:s22] =	ssyncadd.s32 s5;
	_ =	sdelay $0x1  }
0xa7: {  	s23 =	simm.s32 $0x1B8B  }
0xa8: {  	_ =	swait.ge [sflag:s23], $0x1  }
0xa9: {  	[sflag:s23] =	ssyncset.done $0x0  }
0xaa: {  	s25 =	simm.s32 $0x1B8E;
	s24 =	sld [smem:$0x3FFE];
	[sflag:s23] =	ssyncadd.s32 $0xFFFFFFFF  }
0xab: {  	s26 =	simm.s32 $execute0_lowered;
	[smem:$0x3FD2] =	sst s25  }
0xac: {  	s6 =	sshll.u32 s26, $0x1;
	_ =	strace $0x80000049;
	[dreg:$0x1] =	wrdreg $0xFFFFFFFF  }
0xad: {  	s28 =	simm.s32 $_size_execute0_lowered;
	s4 =	sadd.s32 s4, s6;
	[dreg:$0x0] =	wrdreg $0x0  }
0xae: {  	s6 =	sshll.u32 s28, $0x1;
	[dreg:$0x2] =	wrdreg s4  }
0xaf: {  	[dreg:$0x3] =	wrdreg s6  }
0xb0: {  	[dreg:$0x4] =	wrdreg $0xC0  }
0xb1: {  	_ =	task [dreg:s8], $0x5FFFF  }
0xb2: {  	[dreg:$0x1] =	wrdreg $0xFFFFFFFF  }
0xb3: {  	[dreg:$0x0] =	wrdreg $0x60  }
0xb4: {  	[dreg:$0x2] =	wrdreg s15  }
0xb5: {  	[dreg:$0x3] =	wrdreg s24  }
0xb6: {  	[dreg:$0x4] =	wrdreg s16  }
0xb7: {  	[dreg:$0x5] =	wrdreg $0x9  }
0xb8: {  	_ =	task.clear_ibuf [dreg:s8], $0x6FFFF;
	_ =	strace $0x90000049  }
0xb9: {  	s29 =	simm.s32 $0x9;
	_ =	strace $0x8000004B  }
0xba: {  	_ =	swait.ge [sflag:s29], $0x1  }
0xbb: {  	[sflag:s29] =	ssyncadd.s32 $0xFFFFFFFF  }
0xbc: {  	_ =	strace $0x9000004B  }
0xbd: {  	_ =	sfence  }
0xbe: {  	s30 =	sld [smem:$0x0];
	_ =	sdelay $0x2  }
0xbf: {  	s31 =	sshll.u32 s1, $0xD;
	s1 =	sshrl.u32 s1, $0x2  }
0xc0: {  	s3 =	sand.u32 $0x4000, s31;
	s1 =	sadd.s32 s1, s30  }
0xc1: {  	s0 =	sor.u32 s3, s0;
	s1 =	sshll.u32 s1, $0x11  }
0xc2: {  	s0 =	sor.u32 s1, s0  }
0xc3: {  	s0 =	sadd.s32 $0x8F2B, s0  }
0xc4: {  	[sflag:s0] =	ssyncadd.remote.s32 $0x1  }
0xc5: {  	_ =	sfence.sel $0xFFFF  }
0xc6: {  	[dreg:$0x0] =	wrdreg $0xFFFFFFFF;
	(pc) =	sbr.abs _section_cstart, $3  }
0xc7: {  	[dreg:$0x1] =	wrdreg $0xFFFFFFFF  }
0xc8: {  	_ =	task.clear_ibuf [dreg:s8], $0x2FFFF;
	_ =	strace $0x9FFFFFFF  }
0xc9: {  	(tm) =	ssettm $0x7FFFFFFF  }
tec
execute0_lowered:
.L_overlay_start_1:
0x0: {  	(tag) =	ssettag $0x1  }
0x1: {  	s1 =	srdreg.scid;
	s0 =	stileid.u32  }
0x2: {  	s14 =	sand.u32 $0x1, s1;
	s29 =	sshll.u32 s0, $0x1  }
0x3: {  	s30 =	sshrl.u32 s0, $0x2;
	s15 =	sor.u32 s14, s29  }
0x4: {  	s2 =	rddreg [dreg:$0x0];
	s1 =	smul.u32 $0xC00, s30;
	s3 =	sshll.u32 s15, $0x7  }
0x5: {  	s4 =	rddreg [dreg:$0x1];
	s3 =	sand.u32 $0x380, s3  }
0x6: {  	s16 =	rddreg [dreg:$0x2];
	s7 =	simm.s32 $0x400;
	s5 =	sor.u32 s1, s3  }
0x7: {  	s1 =	rddreg [dreg:$0x3];
	s3 =	simm.s32 $0x0;
	s5 =	sshrl.u32 s5, $0x3  }
0x8: {  	s6 =	simm.s32 $0x2;
	[smem:$0x7FF] =	sst s3;
	s4 =	sadd.s32 s5, s4  }
0x9: {  	_ =	strace $0x8000004A;
	s5 =	simm.s32 $0x80;
	s4 =	sadd.s32 $0x1000, s4  }
0xa: {  	[tilespmem:s3], [sflag:$0x2] =	stream.strided.gather [hbm4b:s4+s5], $0x180, s7, s5, $0x38;
	[tilespmem:$0xA180] =	vst v63  }
0xb: {  	_ =	swait.ge [sflag:s6], $0x180  }
0xc: {  	[sflag:s6] =	ssyncset.done $0x0  }
0xd: {  	s8 =	simm.s32 $0x180;
	[sflag:s6] =	ssyncadd.s32 $0xFFFFFE80  }
0xe: {  	[tilespmem:s8], [sflag:$0x1] =	stream.indirect.gather [hbm4b:s2+s5], $0x80, s3, s5, $0xb8;
	[tilespmem:$0xA180] =	vst v63  }
0xf: {  	s9 =	simm.s32 $0x4180;
	s10 =	simm.s32 $0x40  }
0x10: {  	[tilespmem:s9], [sflag:$0x1] =	stream.indirect.gather [hbm4b:s2+s5], $0x80, s5, s5, $0xb8;
	[tilespmem:$0xA180] =	vst v63  }
0x11: {  	s11 =	simm.s32 $0x100;
	s12 =	simm.s32 $0x8180;
	s13 =	simm.s32 $0x1  }
0x12: {  	[tilespmem:s12], [sflag:$0x1] =	stream.indirect.gather [hbm4b:s2+s10], $0x80, s11, s10, $0xb8;
	[tilespmem:$0xA180] =	vst v63  }
0x13: {  	_ =	swait.ge [sflag:s13], $0x4000  }
0x14: {  	[sflag:s13] =	ssyncset.done $0x0  }
0x15: {  	s14 =	ssub.s32 $0x2, s14;
	[sflag:s13] =	ssyncadd.s32 $0xFFFFC000  }
0x16: {  	s17 =	sshrl.u32 s14, $0x1;
	_ =	swait.ge [sflag:s13], $0x4000  }
0x17: {  	s17 =	ssub.s32 s14, s17;
	[sflag:s13] =	ssyncset.done $0x0  }
0x18: {  	s31 =	smax.u32 s17, $0x1;
	[sflag:s13] =	ssyncadd.s32 $0xFFFFC000  }
0x19: {  	s15 =	smul.u32 $0x1400, s15;
	p0 =	sne.s32 s31, $0x1;
	_ =	swait.ge [sflag:s13], $0x2000  }
.Ltmp0:
0x1a: {  	[sflag:s13] =	ssyncset.done $0x0;
	(pc) =	sbr.rel @!p0 .LBB2_2-.Ltmp0, $4  }
0x1b: {  	s14 =	sadd.s32 s16, s15;
	[sflag:s13] =	ssyncadd.s32 $0xFFFFE000  }
0x1c: {  	[hbm4b:s14+s3] =	stream.linear.scatter [tilespmem:s8], [sflag:$0x2], $0xA000, $0x38;
	[tilespmem:$0xA180] =	vst v63  }
0x1d: {  	_ =	swait.ge [sflag:s6], $0xA000  }
0x1e: {  	s15 =	sadd.s32 $0xFFFFFFFF, s31;
	[sflag:s6] =	ssyncset.done $0x0  }
.LBB2_1:
0x1f: {  	p0 =	sne.s32 s15, $0x1;
	s15 =	sadd.s32 $0xFFFFFFFF, s15;
	[sflag:s6] =	ssyncadd.s32 $0xFFFF6000  }
0x20: {  	[tilespmem:s3], [sflag:$0x2] =	stream.strided.gather [hbm4b:s4+s5], $0x180, s7, s5, $0x38;
	[tilespmem:$0xA180] =	vst v63  }
0x21: {  	_ =	swait.ge [sflag:s6], $0x180  }
0x22: {  	[sflag:s6] =	ssyncset.done $0x0  }
0x23: {  	[sflag:s6] =	ssyncadd.s32 $0xFFFFFE80  }
0x24: {  	[tilespmem:s8], [sflag:$0x1] =	stream.indirect.gather [hbm4b:s2+s5], $0x80, s3, s5, $0xb8;
	[tilespmem:$0xA180] =	vst v63  }
0x25: {  	_ = 	snop  }
0x26: {  	[tilespmem:s9], [sflag:$0x1] =	stream.indirect.gather [hbm4b:s2+s5], $0x80, s5, s5, $0xb8;
	[tilespmem:$0xA180] =	vst v63  }
0x27: {  	_ = 	snop  }
0x28: {  	[tilespmem:s12], [sflag:$0x1] =	stream.indirect.gather [hbm4b:s2+s10], $0x80, s11, s10, $0xb8;
	[tilespmem:$0xA180] =	vst v63  }
0x29: {  	_ =	swait.ge [sflag:s13], $0x4000  }
0x2a: {  	[sflag:s13] =	ssyncset.done $0x0  }
0x2b: {  	[sflag:s13] =	ssyncadd.s32 $0xFFFFC000  }
0x2c: {  	_ =	swait.ge [sflag:s13], $0x4000  }
0x2d: {  	[sflag:s13] =	ssyncset.done $0x0  }
0x2e: {  	[sflag:s13] =	ssyncadd.s32 $0xFFFFC000  }
0x2f: {  	_ =	swait.ge [sflag:s13], $0x2000  }
.Ltmp1:
0x30: {  	[sflag:s13] =	ssyncset.done $0x0;
	(pc) =	sbr.rel @p0 .LBB2_1-.Ltmp1, $4  }
0x31: {  	[sflag:s13] =	ssyncadd.s32 $0xFFFFE000  }
0x32: {  	[hbm4b:s14+s3] =	stream.linear.scatter [tilespmem:s8], [sflag:$0x2], $0xA000, $0x38;
	[tilespmem:$0xA180] =	vst v63  }
0x33: {  	_ =	swait.ge [sflag:s6], $0xA000  }
0x34: {  	[sflag:s6] =	ssyncset.done $0x0  }
.LBB2_2:
0x35: {  	[sflag:s6] =	ssyncadd.s32 $0xFFFF6000  }
0x36: {  	_ =	sfence.sel $0x180000  }
0x37: {  	[bflag:$0x0] =	sbarrier.arrive $0xFFFF  }
0x38: {  	p0 =	sne.s32 s0, $0x0;
	_ =	strace $0x9000004A  }
0x39: {  	s0 =	sadd.s32 @!p0 $0x100000, s1;
	[bflag:$0x2] =	sbarrier.arrive $0xFFFF  }
0x3a: {  	[sflag:s0] =	ssyncadd.tile.s32 @!p0 $0x1;
	_ =	shalt  }
.Lfunc_end2:
_tile_overlayer_lowered:
.L_overlay_start_2:
0x3b: {  	(tag) =	ssettag $0x2  }
0x3c: {  	s0 =	rddreg [dreg:$0x0];
	s2 =	stileid.u32  }
0x3d: {  	s1 =	rddreg [dreg:$0x1];
	p0 =	sne.s32 s2, $0x0  }
0x3e: {  	s3 =	rddreg [dreg:$0x2];
	[bflag:$0x3] =	sbarrier.arrive $0xFFFF;
	s2 =	simm.s32 @!p0 $0x1C02  }
0x3f: {  	[timem:s3], [sflag:s2] =	dma.local @!p0 [hbm:s0], s1  }
0x40: {  	s0 =	simm.s32 @!p0 $0x2  }
0x41: {  	_ =	swait.ge @!p0 [sflag:s0], s1  }
0x42: {  	s1 =	ssub.s32 @!p0 $0x0, s1;
	[sflag:s0] =	ssyncset.done @!p0 $0x0  }
0x43: {  	[sflag:s0] =	ssyncadd.s32 @!p0 s1  }
0x44: {  	[bflag:$0x3] =	sbarrier.arrive $0xFFFF  }
0x45: {  	_ =	shalt  }

// kernel: kernel.7.cloned.1.call-start
scs
__scs_entry_jumppad:
0x0: {  	(pc) =	sbr.rel $0x88, $3  }
0x1: {  	(tag) =	ssettag $0x0;
	lr =	simm.s32 $0x1  }
0x2: {  	[smem:$0x3F9F] =	sst lr;
	_ =	strace $0xD0000000  }
0x3: {  	_ = 	snop  }
0x4: {  	_ = 	snop  }
0x5: {  	_ = 	snop  }
0x6: {  	_ = 	snop  }
0x7: {  	_ = 	snop  }
__scs_overlays_trampoline_lowered:
0x8: {  	[smem:$0x3FAE] =	sst s0  }
0x9: {  	[smem:$0x3FAF] =	sst s1  }
0xa: {  	[smem:$0x3FB0] =	sst s2  }
0xb: {  	[smem:$0x3FB1] =	sst s3  }
0xc: {  	[smem:$0x3FB2] =	sst s4  }
0xd: {  	[smem:$0x3FB3] =	sst s5  }
0xe: {  	[smem:$0x3FB4] =	sst s6  }
0xf: {  	[smem:$0x3FB5] =	sst s7  }
0x10: {  	[smem:$0x3FB6] =	sst s8  }
0x11: {  	[smem:$0x3FB7] =	sst s9;
	s0 =	simm.s32 @!p0 $0x0  }
0x12: {  	s1 =	sld [smem:$0x3F9D];
	s0 =	simm.s32 @p0 $0x1  }
0x13: {  	[smem:$0x3FB8] =	sst s0;
	s0 =	simm.s32 @!p1 $0x0  }
0x14: {  	s2 =	sld [smem:$0x3F9C];
	s0 =	simm.s32 @p1 $0x1  }
0x15: {  	[smem:$0x3FB9] =	sst s0;
	s0 =	simm.s32 @!p2 $0x0  }
0x16: {  	s3 =	sld [smem:$0x3FDB];
	s0 =	simm.s32 @p2 $0x1  }
0x17: {  	s4 =	simm.s32 $0x1BF5;
	[smem:$0x3FBB] =	sst s0  }
0x18: {  	s0 =	sld [smem:$0x3F9E];
	_ =	swait.ge [sflag:s4], $0x0  }
0x19: {  	s7 =	sld [smem:$0x3F9F]  }
0x1a: {  	s8 =	sadd.s32 $0xFFFFE003, lr  }
0x1b: {  	s9 =	sadd.s32 $0xFFFFFEF7, lr;
	s5 =	simm.s32 $0xFFFFFFFF;
	p2 =	slt.u32 s8, $0xFFFFF086  }
0x1c: {  	p1 =	slt.u32 s9, $0xF7A;
	s5 =	simm.s32 @!p2 $0x0  }
0x1d: {  	s5 =	simm.s32 @p1 $0x1;
	p0 =	seq.s32 s7, s2  }
0x1e: {  	s7 =	smul.u32 @!p0 $0xF7A, s2;
	p2 =	seq.s32 @!p0 s5, $0x0  }
0x1f: {  	s9 =	smul.u32 $0xF7A, s1;
	s8 =	simm.s32 @!p0 $0x1BF5;
	p2 =	por !p2, p0  }
0x20: {  	[sflag:s8] =	ssyncset.s32 @!p0 $0xFFFFF086;
	s6 =	sadd.s32 @!p0 s3, s7;
	s7 =	simm.s32 @!p0 $0x108  }
0x21: {  	s3 =	sadd.s32 s3, s9;
	s6 =	sadd.s32 @!p0 $0x88, s6;
	s7 =	simm.s32 @p2 $0x1082  }
0x22: {  	[simem:s7], [sflag:s8] =	dma.local @!p0 [hbm:s6], $0xF7A  }
0x23: {  	s9 =	sor.u32 $0xD0000000, s2;
	s6 =	simm.s32 $0x108;
	_ =	swait.ge @!p0 [sflag:s8], $0x0  }
0x24: {  	s3 =	sadd.s32 $0x88, s3;
	s6 =	simm.s32 @!p1 $0x1082;
	[sflag:s4] =	ssyncset.s32 $0xFFFFF086  }
0x25: {  	[simem:s6], [sflag:s4] =	dma.local [hbm:s3], $0xF7A  }
0x26: {  	[smem:$0x3F9F] =	sst s1;
	(tag) =	ssettag s2;
	_ =	strace s9  }
0x27: {  	s1 =	sld [smem:$0x3FAF]  }
0x28: {  	s2 =	sld [smem:$0x3FB0]  }
0x29: {  	s4 =	sld [smem:$0x3FB2]  }
0x2a: {  	p0 =	seq.s32 s5, $0x0;
	s5 =	sld [smem:$0x3FB3]  }
0x2b: {  	s6 =	sld [smem:$0x3FB4]  }
0x2c: {  	s7 =	sld [smem:$0x3FB5]  }
0x2d: {  	s3 =	simm.s32 $0x108;
	s8 =	sld [smem:$0x3FB6]  }
0x2e: {  	s3 =	simm.s32 @!p0 $0x1082;
	s9 =	sld [smem:$0x3FB7]  }
0x2f: {  	lr =	sadd.s32 s0, s3;
	s0 =	sld [smem:$0x3FAE]  }
0x30: {  	s3 =	sld [smem:$0x3FB1]  }
0x31: {  	[smem:$0x3FBA] =	sst s10  }
0x32: {  	s10 =	sld [smem:$0x3FB8];
	_ =	sdelay $0x3  }
0x33: {  	p0 =	seq.s32 s10, $0x1;
	s10 =	sld [smem:$0x3FBA];
	_ =	sdelay $0x3  }
0x34: {  	[smem:$0x3FBA] =	sst s10  }
0x35: {  	s10 =	sld [smem:$0x3FB9];
	_ =	sdelay $0x3  }
0x36: {  	p1 =	seq.s32 s10, $0x1;
	s10 =	sld [smem:$0x3FBA];
	_ =	sdelay $0x3  }
0x37: {  	[smem:$0x3FBA] =	sst s10  }
0x38: {  	s10 =	sld [smem:$0x3FBB]  }
0x39: {  	_ = 	snop;
	(pc) =	sbr.ind lr, $3  }
0x3a: {  	_ = 	snop  }
0x3b: {  	_ = 	snop  }
0x3c: {  	p2 =	seq.s32 s10, $0x1;
	s10 =	sld [smem:$0x3FBA]  }
0x3d: {  	_ =	shalt  }
0x3e: {  	_ =	shalt  }
0x3f: {  	_ =	shalt  }
0x40: {  	_ =	shalt  }
0x41: {  	_ =	shalt  }
0x42: {  	_ =	shalt  }
0x43: {  	_ =	shalt  }
0x44: {  	_ =	shalt  }
0x45: {  	_ =	shalt  }
0x46: {  	_ =	shalt  }
0x47: {  	_ =	shalt  }
0x48: {  	_ =	shalt  }
0x49: {  	_ =	shalt  }
0x4a: {  	_ =	shalt  }
0x4b: {  	_ =	shalt  }
0x4c: {  	_ =	shalt  }
0x4d: {  	_ =	shalt  }
0x4e: {  	_ =	shalt  }
0x4f: {  	_ =	shalt  }
0x50: {  	_ =	shalt  }
0x51: {  	_ =	shalt  }
0x52: {  	_ =	shalt  }
0x53: {  	_ =	shalt  }
0x54: {  	_ =	shalt  }
0x55: {  	_ =	shalt  }
0x56: {  	_ =	shalt  }
0x57: {  	_ =	shalt  }
0x58: {  	_ =	shalt  }
0x59: {  	_ =	shalt  }
0x5a: {  	_ =	shalt  }
0x5b: {  	_ =	shalt  }
0x5c: {  	_ =	shalt  }
0x5d: {  	_ =	shalt  }
0x5e: {  	_ =	shalt  }
0x5f: {  	_ =	shalt  }
0x60: {  	_ =	shalt  }
0x61: {  	_ =	shalt  }
0x62: {  	_ =	shalt  }
0x63: {  	_ =	shalt  }
0x64: {  	_ =	shalt  }
0x65: {  	_ =	shalt  }
0x66: {  	_ =	shalt  }
0x67: {  	_ =	shalt  }
0x68: {  	_ =	shalt  }
0x69: {  	_ =	shalt  }
0x6a: {  	_ =	shalt  }
0x6b: {  	_ =	shalt  }
0x6c: {  	_ =	shalt  }
0x6d: {  	_ =	shalt  }
0x6e: {  	_ =	shalt  }
0x6f: {  	_ =	shalt  }
0x70: {  	_ =	shalt  }
0x71: {  	_ =	shalt  }
0x72: {  	_ =	shalt  }
0x73: {  	_ =	shalt  }
0x74: {  	_ =	shalt  }
0x75: {  	_ =	shalt  }
0x76: {  	_ =	shalt  }
0x77: {  	_ =	shalt  }
0x78: {  	_ =	shalt  }
0x79: {  	_ =	shalt  }
0x7a: {  	_ =	shalt  }
0x7b: {  	_ =	shalt  }
0x7c: {  	_ =	shalt  }
0x7d: {  	_ =	shalt  }
0x7e: {  	_ =	shalt  }
0x7f: {  	_ =	shalt  }
0x80: {  	_ =	shalt  }
0x81: {  	_ =	shalt  }
0x82: {  	_ =	shalt  }
0x83: {  	_ =	shalt  }
0x84: {  	_ =	shalt  }
0x85: {  	_ =	shalt  }
0x86: {  	_ =	shalt  }
0x87: {  	_ =	shalt  }
.Lfunc_end0:
.L_simem_size_0:
called_computation_lowered:
.L_overlay_start_0:
0x88: {  	s2 =	sld [smem:$0x3FD9]  }
0x89: {  	s3 =	sld [smem:$0x3FFE];
	_ =	sdelay $0x1  }
0x8a: {  	s1 =	srdreg.scid  }
0x8b: {  	s0 =	sand.u32 $0x1, s1  }
0x8c: {  	s14 =	sshll.u32 s0, $0xA;
	s2 =	sadd.s32 s3, s2  }
0x8d: {  	s2 =	sadd.s32 s2, s14  }
0x8e: {  	[smem:$0x3FC6] =	sst s2  }
0x8f: {  	_ = 	snop  }
0x90: {  	s2 =	sld [smem:$0x3FD0];
	_ =	sdelay $0x2  }
0x91: {  	s15 =	simm.s32 $0xA;
	s4 =	simm.s32 $0x10  }
0x92: {  	[smem:s4], [sflag:s15] =	dma.local [hbm:s2], $0x1  }
0x93: {  	_ =	swait.eq [sflag:s15], $0x1  }
0x94: {  	[sflag:s15] =	ssyncset.done $0x0  }
0x95: {  	s16 =	sld [smem:$0x11];
	[sflag:s15] =	ssyncadd.s32 $0xFFFFFFFF  }
0x96: {  	s17 =	sld [smem:$0x12];
	(tm) =	ssettm $0x1  }
0x97: {  	s18 =	sld [smem:$0x3FFB];
	_ =	sdelay $0x3  }
0x98: {  	_ =	strace s18  }
0x99: {  	s4 =	sld [smem:$0x3FFC];
	_ =	sdelay $0x3  }
0x9a: {  	_ =	strace s4  }
0x9b: {  	s4 =	sld [smem:$0x3FFD];
	_ =	sdelay $0x3  }
0x9c: {  	_ =	strace s4  }
0x9d: {  	_ =	strace $0x8FFFFFFF  }
0x9e: {  	s19 =	sld [smem:$0x3FDB];
	_ =	sdelay $0x1  }
0x9f: {  	s5 =	simm.s32 $_scs_section_size  }
0xa0: {  	s6 =	simm.s32 $_size__tile_overlayer_lowered;
	s7 =	simm.s32 $_tile_overlayer_lowered  }
0xa1: {  	s22 =	simm.s32 $0x1BFF;
	s21 =	sshll.u32 s7, $0x1;
	s4 =	sadd.s32 s5, s19  }
0xa2: {  	s8 =	simm.s32 $0x0;
	s20 =	sshll.u32 s6, $0x1;
	s6 =	sadd.s32 s21, s4  }
0xa3: {  	[timem:s8], [sflag:s22] =	dma.local [hbm:s6], s20  }
0xa4: {  	_ =	swait.ge [sflag:s22], s20  }
0xa5: {  	s5 =	ssub.s32 $0x0, s20;
	[sflag:s22] =	ssyncset.done $0x0  }
0xa6: {  	[sflag:s22] =	ssyncadd.s32 s5;
	_ =	sdelay $0x1  }
0xa7: {  	s23 =	simm.s32 $0x1B8B  }
0xa8: {  	_ =	swait.ge [sflag:s23], $0x1  }
0xa9: {  	[sflag:s23] =	ssyncset.done $0x0  }
0xaa: {  	s25 =	simm.s32 $0x1B8E;
	s24 =	sld [smem:$0x3FFE];
	[sflag:s23] =	ssyncadd.s32 $0xFFFFFFFF  }
0xab: {  	s26 =	simm.s32 $execute0_lowered;
	[smem:$0x3FD2] =	sst s25  }
0xac: {  	s6 =	sshll.u32 s26, $0x1;
	_ =	strace $0x80000046;
	[dreg:$0x1] =	wrdreg $0xFFFFFFFF  }
0xad: {  	s28 =	simm.s32 $_size_execute0_lowered;
	s4 =	sadd.s32 s4, s6;
	[dreg:$0x0] =	wrdreg $0x0  }
0xae: {  	s6 =	sshll.u32 s28, $0x1;
	[dreg:$0x2] =	wrdreg s4  }
0xaf: {  	[dreg:$0x3] =	wrdreg s6  }
0xb0: {  	[dreg:$0x4] =	wrdreg $0xC0  }
0xb1: {  	_ =	task [dreg:s8], $0x5FFFF  }
0xb2: {  	[dreg:$0x1] =	wrdreg $0xFFFFFFFF  }
0xb3: {  	[dreg:$0x0] =	wrdreg $0x60  }
0xb4: {  	[dreg:$0x2] =	wrdreg s24  }
0xb5: {  	[dreg:$0x3] =	wrdreg s16  }
0xb6: {  	[dreg:$0x4] =	wrdreg s17  }
0xb7: {  	[dreg:$0x5] =	wrdreg $0x9  }
0xb8: {  	_ =	task.clear_ibuf [dreg:s8], $0x6FFFF;
	_ =	strace $0x90000046  }
0xb9: {  	s29 =	simm.s32 $0x9;
	_ =	strace $0x80000048  }
0xba: {  	_ =	swait.ge [sflag:s29], $0x1  }
0xbb: {  	[sflag:s29] =	ssyncadd.s32 $0xFFFFFFFF  }
0xbc: {  	_ =	strace $0x90000048  }
0xbd: {  	_ =	sfence  }
0xbe: {  	s30 =	sld [smem:$0x0];
	_ =	sdelay $0x2  }
0xbf: {  	s31 =	sshll.u32 s1, $0xD;
	s1 =	sshrl.u32 s1, $0x2  }
0xc0: {  	s3 =	sand.u32 $0x4000, s31;
	s1 =	sadd.s32 s1, s30  }
0xc1: {  	s0 =	sor.u32 s3, s0;
	s1 =	sshll.u32 s1, $0x11  }
0xc2: {  	s0 =	sor.u32 s1, s0  }
0xc3: {  	s0 =	sadd.s32 $0x8F2B, s0  }
0xc4: {  	[sflag:s0] =	ssyncadd.remote.s32 $0x1  }
0xc5: {  	_ =	sfence.sel $0xFFFF  }
0xc6: {  	[dreg:$0x0] =	wrdreg $0xFFFFFFFF;
	(pc) =	sbr.abs _section_cstart, $3  }
0xc7: {  	[dreg:$0x1] =	wrdreg $0xFFFFFFFF  }
0xc8: {  	_ =	task.clear_ibuf [dreg:s8], $0x2FFFF;
	_ =	strace $0x9FFFFFFF  }
0xc9: {  	(tm) =	ssettm $0x7FFFFFFF  }
tec
execute0_lowered:
.L_overlay_start_1:
0x0: {  	(tag) =	ssettag $0x1  }
0x1: {  	s1 =	srdreg.scid;
	s0 =	stileid.u32  }
0x2: {  	s14 =	sand.u32 $0x1, s1;
	s28 =	sshll.u32 s0, $0x1  }
0x3: {  	s7 =	rddreg [dreg:$0x0];
	s29 =	sshrl.u32 s0, $0x2;
	s15 =	sor.u32 s14, s28  }
0x4: {  	s3 =	rddreg [dreg:$0x1];
	s4 =	smul.u32 $0xC00, s29;
	s30 =	sshll.u32 s15, $0x7  }
0x5: {  	s16 =	rddreg [dreg:$0x2];
	s2 =	simm.s32 $0x0;
	s5 =	sand.u32 $0x380, s30  }
0x6: {  	s6 =	simm.s32 $0x400;
	[smem:$0x7FF] =	sst s2;
	s4 =	sor.u32 s4, s5  }
0x7: {  	s1 =	rddreg [dreg:$0x3];
	_ =	strace $0x80000047;
	s4 =	sshrl.u32 s4, $0x3  }
0x8: {  	s5 =	simm.s32 $0x2;
	s3 =	sadd.s32 s3, s4;
	s4 =	simm.s32 $0x80  }
0x9: {  	[tilespmem:s2], [sflag:$0x2] =	stream.strided.gather [hbm4b:s3+s4], $0x180, s6, s4, $0x38;
	[tilespmem:$0xA180] =	vst v63  }
0xa: {  	_ =	swait.ge [sflag:s5], $0x180  }
0xb: {  	[sflag:s5] =	ssyncset.done $0x0  }
0xc: {  	s8 =	simm.s32 $0x180;
	s7 =	sadd.s32 $0x1000, s7;
	[sflag:s5] =	ssyncadd.s32 $0xFFFFFE80  }
0xd: {  	[tilespmem:s8], [sflag:$0x1] =	stream.indirect.gather [hbm4b:s7+s4], $0x80, s2, s4, $0xb8;
	[tilespmem:$0xA180] =	vst v63  }
0xe: {  	s9 =	simm.s32 $0x4180;
	s10 =	simm.s32 $0x40  }
0xf: {  	[tilespmem:s9], [sflag:$0x1] =	stream.indirect.gather [hbm4b:s7+s4], $0x80, s4, s4, $0xb8;
	[tilespmem:$0xA180] =	vst v63  }
0x10: {  	s11 =	simm.s32 $0x100;
	s12 =	simm.s32 $0x8180;
	s13 =	simm.s32 $0x1  }
0x11: {  	[tilespmem:s12], [sflag:$0x1] =	stream.indirect.gather [hbm4b:s7+s10], $0x80, s11, s10, $0xb8;
	[tilespmem:$0xA180] =	vst v63  }
0x12: {  	_ =	swait.ge [sflag:s13], $0x4000  }
0x13: {  	[sflag:s13] =	ssyncset.done $0x0  }
0x14: {  	s14 =	ssub.s32 $0x2, s14;
	[sflag:s13] =	ssyncadd.s32 $0xFFFFC000  }
0x15: {  	s17 =	sshrl.u32 s14, $0x1;
	_ =	swait.ge [sflag:s13], $0x4000  }
0x16: {  	s17 =	ssub.s32 s14, s17;
	[sflag:s13] =	ssyncset.done $0x0  }
0x17: {  	s31 =	smax.u32 s17, $0x1;
	[sflag:s13] =	ssyncadd.s32 $0xFFFFC000  }
0x18: {  	s15 =	smul.u32 $0x1400, s15;
	p0 =	sne.s32 s31, $0x1;
	_ =	swait.ge [sflag:s13], $0x2000  }
.Ltmp0:
0x19: {  	[sflag:s13] =	ssyncset.done $0x0;
	(pc) =	sbr.rel @!p0 .LBB2_2-.Ltmp0, $4  }
0x1a: {  	s14 =	sadd.s32 s16, s15;
	[sflag:s13] =	ssyncadd.s32 $0xFFFFE000  }
0x1b: {  	[hbm4b:s14+s2] =	stream.linear.scatter [tilespmem:s8], [sflag:$0x2], $0xA000, $0x38;
	[tilespmem:$0xA180] =	vst v63  }
0x1c: {  	_ =	swait.ge [sflag:s5], $0xA000  }
0x1d: {  	s15 =	sadd.s32 $0xFFFFFFFF, s31;
	[sflag:s5] =	ssyncset.done $0x0  }
.LBB2_1:
0x1e: {  	p0 =	sne.s32 s15, $0x1;
	s15 =	sadd.s32 $0xFFFFFFFF, s15;
	[sflag:s5] =	ssyncadd.s32 $0xFFFF6000  }
0x1f: {  	[tilespmem:s2], [sflag:$0x2] =	stream.strided.gather [hbm4b:s3+s4], $0x180, s6, s4, $0x38;
	[tilespmem:$0xA180] =	vst v63  }
0x20: {  	_ =	swait.ge [sflag:s5], $0x180  }
0x21: {  	[sflag:s5] =	ssyncset.done $0x0  }
0x22: {  	[sflag:s5] =	ssyncadd.s32 $0xFFFFFE80  }
0x23: {  	[tilespmem:s8], [sflag:$0x1] =	stream.indirect.gather [hbm4b:s7+s4], $0x80, s2, s4, $0xb8;
	[tilespmem:$0xA180] =	vst v63  }
0x24: {  	_ = 	snop  }
0x25: {  	[tilespmem:s9], [sflag:$0x1] =	stream.indirect.gather [hbm4b:s7+s4], $0x80, s4, s4, $0xb8;
	[tilespmem:$0xA180] =	vst v63  }
0x26: {  	_ = 	snop  }
0x27: {  	[tilespmem:s12], [sflag:$0x1] =	stream.indirect.gather [hbm4b:s7+s10], $0x80, s11, s10, $0xb8;
	[tilespmem:$0xA180] =	vst v63  }
0x28: {  	_ =	swait.ge [sflag:s13], $0x4000  }
0x29: {  	[sflag:s13] =	ssyncset.done $0x0  }
0x2a: {  	[sflag:s13] =	ssyncadd.s32 $0xFFFFC000  }
0x2b: {  	_ =	swait.ge [sflag:s13], $0x4000  }
0x2c: {  	[sflag:s13] =	ssyncset.done $0x0  }
0x2d: {  	[sflag:s13] =	ssyncadd.s32 $0xFFFFC000  }
0x2e: {  	_ =	swait.ge [sflag:s13], $0x2000  }
.Ltmp1:
0x2f: {  	[sflag:s13] =	ssyncset.done $0x0;
	(pc) =	sbr.rel @p0 .LBB2_1-.Ltmp1, $4  }
0x30: {  	[sflag:s13] =	ssyncadd.s32 $0xFFFFE000  }
0x31: {  	[hbm4b:s14+s2] =	stream.linear.scatter [tilespmem:s8], [sflag:$0x2], $0xA000, $0x38;
	[tilespmem:$0xA180] =	vst v63  }
0x32: {  	_ =	swait.ge [sflag:s5], $0xA000  }
0x33: {  	[sflag:s5] =	ssyncset.done $0x0  }
.LBB2_2:
0x34: {  	[sflag:s5] =	ssyncadd.s32 $0xFFFF6000  }
0x35: {  	_ =	sfence.sel $0x180000  }
0x36: {  	[bflag:$0x0] =	sbarrier.arrive $0xFFFF  }
0x37: {  	p0 =	sne.s32 s0, $0x0;
	_ =	strace $0x90000047  }
0x38: {  	s0 =	sadd.s32 @!p0 $0x100000, s1;
	[bflag:$0x2] =	sbarrier.arrive $0xFFFF  }
0x39: {  	[sflag:s0] =	ssyncadd.tile.s32 @!p0 $0x1;
	_ =	shalt  }
.Lfunc_end2:
_tile_overlayer_lowered:
.L_overlay_start_2:
0x3a: {  	(tag) =	ssettag $0x2  }
0x3b: {  	s0 =	rddreg [dreg:$0x0];
	s2 =	stileid.u32  }
0x3c: {  	s1 =	rddreg [dreg:$0x1];
	p0 =	sne.s32 s2, $0x0  }
0x3d: {  	s3 =	rddreg [dreg:$0x2];
	[bflag:$0x3] =	sbarrier.arrive $0xFFFF;
	s2 =	simm.s32 @!p0 $0x1C02  }
0x3e: {  	[timem:s3], [sflag:s2] =	dma.local @!p0 [hbm:s0], s1  }
0x3f: {  	s0 =	simm.s32 @!p0 $0x2  }
0x40: {  	_ =	swait.ge @!p0 [sflag:s0], s1  }
0x41: {  	s1 =	ssub.s32 @!p0 $0x0, s1;
	[sflag:s0] =	ssyncset.done @!p0 $0x0  }
0x42: {  	[sflag:s0] =	ssyncadd.s32 @!p0 s1  }
0x43: {  	[bflag:$0x3] =	sbarrier.arrive $0xFFFF  }
0x44: {  	_ =	shalt  }

</sc_bundles>
